<compile_context>
chip_gen: v7x
topology: tpu7x:2x2x1
jax: 0.10.2.dev20260603
libtpu: 0.0.44.dev20260713+nightly
codegen_flags: <defaults>
</compile_context>

<pallas_src>
import functools

import jax
import jax.numpy as jnp
from jax import lax
from jax.experimental import pallas as pl
from jax.experimental.pallas import tpu as pltpu
from jax.experimental.pallas import tpu_sc as plsc

BATCH = 16384
MF_DIM = 8
MLP_HALF = 32
NUM_CORES = 2
NUM_SUBCORES = 16
NW = NUM_CORES * NUM_SUBCORES
BPW = BATCH // NW
CHUNK = 128
NCH = BPW // CHUNK

_f32 = jnp.float32


def _gather_table(tbl, idx_v, out, rb, sems, sem_w, base):

    def issue(c):
        slot = c % 2

        def body(j, _):
            u = idx_v[pl.ds(c * CHUNK + j, 16)][0]
            pltpu.make_async_copy(
                tbl.at[pl.ds(u, 1)],
                rb.at[pl.ds(slot * CHUNK + j, 1)],
                sems[slot],
            ).start()
            return _
        lax.fori_loop(0, CHUNK, body, None)

    def drain(c):
        def body(j, _):
            pltpu.make_async_copy(
                tbl.at[pl.ds(0, 1)], rb.at[pl.ds(0, 1)], sems[c % 2]
            ).wait()
            return _
        lax.fori_loop(0, CHUNK, body, None)

    def w_desc(c):
        slot = c % 2
        return pltpu.make_async_copy(
            rb.at[pl.ds(slot * CHUNK, CHUNK)],
            out.at[pl.ds(base + c * CHUNK, CHUNK)],
            sem_w[slot],
        )

    issue(0)
    issue(1)
    for c in range(NCH):
        drain(c)
        w_desc(c).start()
        if c + 2 < NCH:
            w_desc(c).wait()
            issue(c + 2)
    for c in range(NCH - 2, NCH):
        w_desc(c).wait()


def _sc_body(uidx_hbm, iidx_hbm, tu2, ti2,
             out_u, out_i,
             uidx_v, iidx_v, rb,
             s0, s1, w0, w1):
    wid = lax.axis_index("s") * NUM_CORES + lax.axis_index("c")
    base = wid * BPW
    pltpu.sync_copy(uidx_hbm.at[pl.ds(base, BPW)], uidx_v.at[pl.ds(0, BPW)])
    pltpu.sync_copy(iidx_hbm.at[pl.ds(base, BPW)], iidx_v.at[pl.ds(0, BPW)])
    sems = (s0, s1)
    sem_w = (w0, w1)
    _gather_table(tu2, uidx_v, out_u, rb, sems, sem_w, base)
    _gather_table(ti2, iidx_v, out_i, rb, sems, sem_w, base)


@functools.cache
def _sc_gather(d):
    return functools.partial(
        pl.kernel,
        out_type=(
            jax.ShapeDtypeStruct((BATCH, d), _f32),
            jax.ShapeDtypeStruct((BATCH, d), _f32),
        ),
        mesh=plsc.VectorSubcoreMesh(core_axis_name="c", subcore_axis_name="s"),
        scratch_types=[
            pltpu.VMEM((BPW + 16,), jnp.int32),
            pltpu.VMEM((BPW + 16,), jnp.int32),
            pltpu.VMEM((2 * CHUNK, d), _f32),
        ] + [pltpu.SemaphoreType.DMA] * 4,
        compiler_params=pltpu.CompilerParams(use_tc_tiling_on_sc=True),
    )(_sc_body)


BM = 2048


def _mlp_body(mu, mi, gu, gi, w1a, w1b, b1, w2, b2, w3, b3, wpg, wph, bp, out):
    h = jnp.maximum(mu[...] @ w1a[...] + mi[...] @ w1b[...] + b1[...], 0.0)
    h = jnp.maximum(h @ w2[...] + b2[...], 0.0)
    h = jnp.maximum(h @ w3[...] + b3[...], 0.0)
    g = gu[...] * gi[...]
    logit = g @ wpg[...] + h @ wph[...] + bp[...]
    out[...] = jax.nn.sigmoid(logit[:, 0])


def kernel(user_indices, item_indices, ue_gmf, ie_gmf, ue_mlp, ie_mlp,
           W1, b1, W2, b2, W3, b3, Wp, bp):
    uidx = user_indices.astype(jnp.int32)
    iidx = item_indices.astype(jnp.int32)
    mu, mi = _sc_gather(MLP_HALF)(uidx, iidx, ue_mlp, ie_mlp)
    gu, gi = _sc_gather(MF_DIM)(uidx, iidx, ue_gmf, ie_gmf)

    grid = BATCH // BM
    row_spec = lambda d: pl.BlockSpec((BM, d), lambda i: (i, 0))
    full = lambda a: pl.BlockSpec(a.shape, lambda i: (0,) * a.ndim)
    w1a, w1b = W1[:MLP_HALF], W1[MLP_HALF:]
    wpg, wph = Wp[:MF_DIM], Wp[MF_DIM:]
    b1r, b2r, b3r, bpr = (b.reshape(1, -1) for b in (b1, b2, b3, bp))
    out = pl.pallas_call(
        _mlp_body,
        grid=(grid,),
        in_specs=[row_spec(MLP_HALF), row_spec(MLP_HALF),
                  row_spec(MF_DIM), row_spec(MF_DIM),
                  full(w1a), full(w1b), full(b1r), full(W2), full(b2r),
                  full(W3), full(b3r), full(wpg), full(wph), full(bpr)],
        out_specs=pl.BlockSpec((BM,), lambda i: (i,)),
        out_shape=jax.ShapeDtypeStruct((BATCH,), _f32),
    )(mu, mi, gu, gi, w1a, w1b, b1r, W2, b2r, W3, b3r, wpg, wph, bpr)
    return out

# --- scband reference (transcript-rebuilt; emitter-appended) ---
"""Pipeline reference for scband-neural-collaborative-filtering-24713241822010 (READ-ONLY COPY).

The authoritative reference and input builder live on the scoring server;
editing this copy changes nothing except your own understanding.
"""

import jax, jax.numpy as jnp
import numpy as np

NUM_USERS = 1000000
NUM_ITEMS = 1000000
MF_DIM = 8
MLP_HALF = 32  # mlp_layer_sizes[0] // 2 = 64 // 2
BATCH = 16384


def setup_inputs(seed: int = 0) -> dict:
    key = jax.random.key(seed)
    ks = jax.random.split(key, 16)
    user_indices = jax.random.randint(ks[0], (BATCH,), 0, NUM_USERS, dtype=jnp.int64 if jax.config.jax_enable_x64 else jnp.int32)
    item_indices = jax.random.randint(ks[1], (BATCH,), 0, NUM_ITEMS, dtype=jnp.int64 if jax.config.jax_enable_x64 else jnp.int32)
    # embedding tables, init std=0.01
    ue_gmf = jax.random.normal(ks[2], (NUM_USERS, MF_DIM), dtype=jnp.float32) * 0.01
    ie_gmf = jax.random.normal(ks[3], (NUM_ITEMS, MF_DIM), dtype=jnp.float32) * 0.01
    ue_mlp = jax.random.normal(ks[4], (NUM_USERS, MLP_HALF), dtype=jnp.float32) * 0.01
    ie_mlp = jax.random.normal(ks[5], (NUM_ITEMS, MLP_HALF), dtype=jnp.float32) * 0.01
    # MLP layers: 64 -> 32 -> 16 -> 8 (xavier uniform)
    def xavier(k, fan_in, fan_out):
        bound = float(np.sqrt(6.0 / (fan_in + fan_out)))
        return jax.random.uniform(k, (fan_in, fan_out), dtype=jnp.float32, minval=-bound, maxval=bound)
    W1 = xavier(ks[6], 64, 32); b1 = jnp.zeros((32,), dtype=jnp.float32)
    W2 = xavier(ks[7], 32, 16); b2 = jnp.zeros((16,), dtype=jnp.float32)
    W3 = xavier(ks[8], 16, 8); b3 = jnp.zeros((8,), dtype=jnp.float32)
    # prediction layer: (mf_dim + 8) = 16 -> 1
    bound_p = float(np.sqrt(6.0 / 16.0))
    Wp = jax.random.uniform(ks[9], (16, 1), dtype=jnp.float32, minval=-bound_p, maxval=bound_p)
    bp = jnp.zeros((1,), dtype=jnp.float32)
    return {
        "user_indices": user_indices, "item_indices": item_indices,
        "ue_gmf": ue_gmf, "ie_gmf": ie_gmf, "ue_mlp": ue_mlp, "ie_mlp": ie_mlp,
        "W1": W1, "b1": b1, "W2": W2, "b2": b2, "W3": W3, "b3": b3,
        "Wp": Wp, "bp": bp,
    }


def reference(user_indices, item_indices, ue_gmf, ie_gmf, ue_mlp, ie_mlp,
              W1, b1, W2, b2, W3, b3, Wp, bp):
    # GMF branch: elementwise product of gathered embeddings
    gmf_user = jnp.take(ue_gmf, user_indices, axis=0)
    gmf_item = jnp.take(ie_gmf, item_indices, axis=0)
    gmf_vector = gmf_user * gmf_item
    # MLP branch
    mlp_user = jnp.take(ue_mlp, user_indices, axis=0)
    mlp_item = jnp.take(ie_mlp, item_indices, axis=0)
    h = jnp.concatenate([mlp_user, mlp_item], axis=-1)
    h = jax.nn.relu(h @ W1 + b1)  # dropout is identity in eval
    h = jax.nn.relu(h @ W2 + b2)
    h = jax.nn.relu(h @ W3 + b3)
    # fuse + predict
    ncf_latent = jnp.concatenate([gmf_vector, h], axis=-1)
    prediction = jax.nn.sigmoid(ncf_latent @ Wp + bp)
    return prediction.squeeze(-1)

if __name__ == "__main__":
    import jax
    _d = setup_inputs()
    print(jax.jit(kernel)(*tuple(_d.values())))

</pallas_src>

<mosaic_0001>
#map = affine_map<(d0, d1) -> (0)>
#map1 = affine_map<(d0, d1) -> (0, 0)>
module attributes {stable_mosaic.version = 14 : i64} {
  func.func @_sc_body(%arg0: i32, %arg1: i32, %arg2: memref<16384xi32, #tpu.memory_space<hbm>>, %arg3: memref<16384xi32, #tpu.memory_space<hbm>>, %arg4: memref<1000000x8xf32, #tpu.memory_space<hbm>>, %arg5: memref<1000000x8xf32, #tpu.memory_space<hbm>>, %arg6: memref<16384x8xf32, #tpu.memory_space<hbm>>, %arg7: memref<16384x8xf32, #tpu.memory_space<hbm>>, %arg8: memref<528xi32, #tpu.memory_space<vmem>>, %arg9: memref<528xi32, #tpu.memory_space<vmem>>, %arg10: memref<256x8xf32, #tpu.memory_space<vmem>>, %arg11: memref<!tpu.dma_semaphore, #tpu.memory_space<semaphore_mem>>, %arg12: memref<!tpu.dma_semaphore, #tpu.memory_space<semaphore_mem>>, %arg13: memref<!tpu.dma_semaphore, #tpu.memory_space<semaphore_mem>>, %arg14: memref<!tpu.dma_semaphore, #tpu.memory_space<semaphore_mem>>) attributes {dimension_semantics = [#tpu.dimension_semantics<core_parallel>, #tpu.dimension_semantics<subcore_parallel>], iteration_bounds = array<i64: 2, 16>, scalar_prefetch = 0 : i64, scratch_operands = 7 : i64, tpu.core_type = #tpu.core_type<sc_vector_subcore>, window_params = [{transform_indices = #map}, {transform_indices = #map}, {transform_indices = #map1}, {transform_indices = #map1}, {transform_indices = #map1}, {transform_indices = #map1}]} {
    %mul3A = arith.constant 2 : i32
    %mul3A_0 = arith.muli %arg1, %mul3A : i32
    %add3A = arith.addi %mul3A_0, %arg0 : i32
    %mul3A_1 = arith.constant 512 : i32
    %mul3A_2 = arith.muli %add3A, %mul3A_1 : i32
    "tpu.region"() ({
      %run_scoped3A = tpu.sem_alloc : memref<!tpu.dma_semaphore, #tpu.memory_space<semaphore_mem>>
      %dma_start3A_272 = arith.constant 0 : i32
      %dma_start3A_273 = tpu.memref_slice %arg8[%dma_start3A_272] : memref<528xi32, #tpu.memory_space<vmem>> -> memref<512xi32, #tpu.memory_space<vmem>>
      %dma_start3A_274 = tpu.memref_slice %arg2[%mul3A_2] : memref<16384xi32, #tpu.memory_space<hbm>> -> memref<512xi32, #tpu.memory_space<hbm>>
      %dma_start3A_275 = arith.constant 0 : i32
      %dma_start3A_276 = tpu.memref_slice %arg8[%dma_start3A_275] : memref<528xi32, #tpu.memory_space<vmem>> -> memref<512xi32, #tpu.memory_space<vmem>>
      %dma_start3A_277 = tpu.memref_slice %arg2[%mul3A_2] : memref<16384xi32, #tpu.memory_space<hbm>> -> memref<512xi32, #tpu.memory_space<hbm>>
      tpu.enqueue_dma source(%dma_start3A_277 : memref<512xi32, #tpu.memory_space<hbm>>) target(%dma_start3A_276 : memref<512xi32, #tpu.memory_space<vmem>>) target_semaphore(%run_scoped3A : memref<!tpu.dma_semaphore, #tpu.memory_space<semaphore_mem>>)
      %dma_wait3A_278 = arith.constant 0 : i32
      %dma_wait3A_279 = tpu.memref_slice %arg8[%dma_wait3A_278] : memref<528xi32, #tpu.memory_space<vmem>> -> memref<512xi32, #tpu.memory_space<vmem>>
      %dma_wait3A_280 = tpu.memref_slice %arg2[%mul3A_2] : memref<16384xi32, #tpu.memory_space<hbm>> -> memref<512xi32, #tpu.memory_space<hbm>>
      %dma_wait3A_281 = arith.constant 0 : i32
      %dma_wait3A_282 = tpu.memref_slice %arg8[%dma_wait3A_281] : memref<528xi32, #tpu.memory_space<vmem>> -> memref<512xi32, #tpu.memory_space<vmem>>
      %dma_wait3A_283 = tpu.memref_slice %arg2[%mul3A_2] : memref<16384xi32, #tpu.memory_space<hbm>> -> memref<512xi32, #tpu.memory_space<hbm>>
      tpu.wait_dma2 semaphore(%run_scoped3A : memref<!tpu.dma_semaphore, #tpu.memory_space<semaphore_mem>>) src(%dma_wait3A_283 : memref<512xi32, #tpu.memory_space<hbm>>) dst(%dma_wait3A_282 : memref<512xi32, #tpu.memory_space<vmem>>)
      tpu.yield
    }) : () -> ()
    "tpu.region"() ({
      %run_scoped3A = tpu.sem_alloc : memref<!tpu.dma_semaphore, #tpu.memory_space<semaphore_mem>>
      %dma_start3A_272 = arith.constant 0 : i32
      %dma_start3A_273 = tpu.memref_slice %arg9[%dma_start3A_272] : memref<528xi32, #tpu.memory_space<vmem>> -> memref<512xi32, #tpu.memory_space<vmem>>
      %dma_start3A_274 = tpu.memref_slice %arg3[%mul3A_2] : memref<16384xi32, #tpu.memory_space<hbm>> -> memref<512xi32, #tpu.memory_space<hbm>>
      %dma_start3A_275 = arith.constant 0 : i32
      %dma_start3A_276 = tpu.memref_slice %arg9[%dma_start3A_275] : memref<528xi32, #tpu.memory_space<vmem>> -> memref<512xi32, #tpu.memory_space<vmem>>
      %dma_start3A_277 = tpu.memref_slice %arg3[%mul3A_2] : memref<16384xi32, #tpu.memory_space<hbm>> -> memref<512xi32, #tpu.memory_space<hbm>>
      tpu.enqueue_dma source(%dma_start3A_277 : memref<512xi32, #tpu.memory_space<hbm>>) target(%dma_start3A_276 : memref<512xi32, #tpu.memory_space<vmem>>) target_semaphore(%run_scoped3A : memref<!tpu.dma_semaphore, #tpu.memory_space<semaphore_mem>>)
      %dma_wait3A_278 = arith.constant 0 : i32
      %dma_wait3A_279 = tpu.memref_slice %arg9[%dma_wait3A_278] : memref<528xi32, #tpu.memory_space<vmem>> -> memref<512xi32, #tpu.memory_space<vmem>>
      %dma_wait3A_280 = tpu.memref_slice %arg3[%mul3A_2] : memref<16384xi32, #tpu.memory_space<hbm>> -> memref<512xi32, #tpu.memory_space<hbm>>
      %dma_wait3A_281 = arith.constant 0 : i32
      %dma_wait3A_282 = tpu.memref_slice %arg9[%dma_wait3A_281] : memref<528xi32, #tpu.memory_space<vmem>> -> memref<512xi32, #tpu.memory_space<vmem>>
      %dma_wait3A_283 = tpu.memref_slice %arg3[%mul3A_2] : memref<16384xi32, #tpu.memory_space<hbm>> -> memref<512xi32, #tpu.memory_space<hbm>>
      tpu.wait_dma2 semaphore(%run_scoped3A : memref<!tpu.dma_semaphore, #tpu.memory_space<semaphore_mem>>) src(%dma_wait3A_283 : memref<512xi32, #tpu.memory_space<hbm>>) dst(%dma_wait3A_282 : memref<512xi32, #tpu.memory_space<vmem>>)
      tpu.yield
    }) : () -> ()
    %scan3A = arith.constant 0 : i32
    %scan3A_3 = arith.constant 128 : i32
    %scan3A_4 = arith.addi %scan3A, %scan3A_3 : i32
    %scan3A_5 = arith.constant 1 : i32
    scf.for %scan3A_272 = %scan3A to %scan3A_4 step %scan3A_5  : i32 {
      %add3A_273 = arith.constant 0 : i32
      %add3A_274 = arith.addi %add3A_273, %scan3A_272 : i32
      %get3A = arith.index_cast %add3A_274 : i32 to index
      %get3A_275 = tpu.vector_load %arg8[%get3A] {strides = array<i32>} : memref<528xi32, #tpu.memory_space<vmem>>, vector<16xi32>,
      %get3A_276 = vector.shape_cast %get3A_275 : vector<16xi32> to vector<16xi32>
      %slice3A = vector.extract_strided_slice %get3A_276 {offsets = [0], sizes = [1], strides = [1]} : vector<16xi32> to vector<1xi32>
      %squeeze3A = vector.extract %slice3A[0] : i32 from vector<1xi32>
      %add3A_277 = arith.constant 0 : i32
      %add3A_278 = arith.addi %add3A_277, %scan3A_272 : i32
      %dma_start3A_279 = arith.constant 0 : i32
      %dma_start3A_280 = tpu.memref_slice %arg10[%add3A_278, %dma_start3A_279] : memref<256x8xf32, #tpu.memory_space<vmem>> -> memref<1x8xf32, #tpu.memory_space<vmem>>
      %dma_start3A_281 = arith.constant 0 : i32
      %dma_start3A_282 = tpu.memref_slice %arg4[%squeeze3A, %dma_start3A_281] : memref<1000000x8xf32, #tpu.memory_space<hbm>> -> memref<1x8xf32, #tpu.memory_space<hbm>>
      %dma_start3A_283 = arith.constant 0 : i32
      %dma_start3A_284 = tpu.memref_slice %arg10[%add3A_278, %dma_start3A_283] : memref<256x8xf32, #tpu.memory_space<vmem>> -> memref<1x8xf32, #tpu.memory_space<vmem>>
      %dma_start3A_285 = arith.constant 0 : i32
      %dma_start3A_286 = tpu.memref_slice %arg4[%squeeze3A, %dma_start3A_285] : memref<1000000x8xf32, #tpu.memory_space<hbm>> -> memref<1x8xf32, #tpu.memory_space<hbm>>
      tpu.enqueue_dma source(%dma_start3A_286 : memref<1x8xf32, #tpu.memory_space<hbm>>) target(%dma_start3A_284 : memref<1x8xf32, #tpu.memory_space<vmem>>) target_semaphore(%arg11 : memref<!tpu.dma_semaphore, #tpu.memory_space<semaphore_mem>>)
    }
    %scan3A_6 = arith.constant 128 : i32
    %scan3A_7 = arith.constant 0 : i32
    %scan3A_8 = arith.constant 128 : i32
    %scan3A_9 = arith.addi %scan3A_7, %scan3A_8 : i32
    %scan3A_10 = arith.constant 1 : i32
    scf.for %scan3A_272 = %scan3A_7 to %scan3A_9 step %scan3A_10  : i32 {
      %add3A_273 = arith.constant 128 : i32
      %add3A_274 = arith.addi %add3A_273, %scan3A_272 : i32
      %get3A = arith.index_cast %add3A_274 : i32 to index
      %get3A_275 = tpu.vector_load %arg8[%get3A] {strides = array<i32>} : memref<528xi32, #tpu.memory_space<vmem>>, vector<16xi32>,
      %get3A_276 = vector.shape_cast %get3A_275 : vector<16xi32> to vector<16xi32>
      %slice3A = vector.extract_strided_slice %get3A_276 {offsets = [0], sizes = [1], strides = [1]} : vector<16xi32> to vector<1xi32>
      %squeeze3A = vector.extract %slice3A[0] : i32 from vector<1xi32>
      %add3A_277 = arith.constant 128 : i32
      %add3A_278 = arith.addi %add3A_277, %scan3A_272 : i32
      %dma_start3A_279 = arith.constant 0 : i32
      %dma_start3A_280 = tpu.memref_slice %arg10[%add3A_278, %dma_start3A_279] : memref<256x8xf32, #tpu.memory_space<vmem>> -> memref<1x8xf32, #tpu.memory_space<vmem>>
      %dma_start3A_281 = arith.constant 0 : i32
      %dma_start3A_282 = tpu.memref_slice %arg4[%squeeze3A, %dma_start3A_281] : memref<1000000x8xf32, #tpu.memory_space<hbm>> -> memref<1x8xf32, #tpu.memory_space<hbm>>
      %dma_start3A_283 = arith.constant 0 : i32
      %dma_start3A_284 = tpu.memref_slice %arg10[%add3A_278, %dma_start3A_283] : memref<256x8xf32, #tpu.memory_space<vmem>> -> memref<1x8xf32, #tpu.memory_space<vmem>>
      %dma_start3A_285 = arith.constant 0 : i32
      %dma_start3A_286 = tpu.memref_slice %arg4[%squeeze3A, %dma_start3A_285] : memref<1000000x8xf32, #tpu.memory_space<hbm>> -> memref<1x8xf32, #tpu.memory_space<hbm>>
      tpu.enqueue_dma source(%dma_start3A_286 : memref<1x8xf32, #tpu.memory_space<hbm>>) target(%dma_start3A_284 : memref<1x8xf32, #tpu.memory_space<vmem>>) target_semaphore(%arg12 : memref<!tpu.dma_semaphore, #tpu.memory_space<semaphore_mem>>)
    }
    %scan3A_11 = arith.constant 128 : i32
    %scan3A_12 = arith.constant 0 : i32
    %scan3A_13 = arith.constant 128 : i32
    %scan3A_14 = arith.addi %scan3A_12, %scan3A_13 : i32
    %scan3A_15 = arith.constant 1 : i32
    scf.for %scan3A_272 = %scan3A_12 to %scan3A_14 step %scan3A_15  : i32 {
      %dma_wait3A_273 = arith.constant 0 : i32
      %dma_wait3A_274 = arith.constant 0 : i32
      %dma_wait3A_275 = tpu.memref_slice %arg10[%dma_wait3A_273, %dma_wait3A_274] : memref<256x8xf32, #tpu.memory_space<vmem>> -> memref<1x8xf32, #tpu.memory_space<vmem>>
      %dma_wait3A_276 = arith.constant 0 : i32
      %dma_wait3A_277 = arith.constant 0 : i32
      %dma_wait3A_278 = tpu.memref_slice %arg4[%dma_wait3A_276, %dma_wait3A_277] : memref<1000000x8xf32, #tpu.memory_space<hbm>> -> memref<1x8xf32, #tpu.memory_space<hbm>>
      %dma_wait3A_279 = arith.constant 0 : i32
      %dma_wait3A_280 = arith.constant 0 : i32
      %dma_wait3A_281 = tpu.memref_slice %arg10[%dma_wait3A_279, %dma_wait3A_280] : memref<256x8xf32, #tpu.memory_space<vmem>> -> memref<1x8xf32, #tpu.memory_space<vmem>>
      %dma_wait3A_282 = arith.constant 0 : i32
      %dma_wait3A_283 = arith.constant 0 : i32
      %dma_wait3A_284 = tpu.memref_slice %arg4[%dma_wait3A_282, %dma_wait3A_283] : memref<1000000x8xf32, #tpu.memory_space<hbm>> -> memref<1x8xf32, #tpu.memory_space<hbm>>
      tpu.wait_dma2 semaphore(%arg11 : memref<!tpu.dma_semaphore, #tpu.memory_space<semaphore_mem>>) src(%dma_wait3A_284 : memref<1x8xf32, #tpu.memory_space<hbm>>) dst(%dma_wait3A_281 : memref<1x8xf32, #tpu.memory_space<vmem>>)
    }
    %scan3A_16 = arith.constant 128 : i32
    %add3A_17 = arith.constant 0 : i32
    %add3A_18 = arith.addi %mul3A_2, %add3A_17 : i32
    %dma_start3A = arith.constant 0 : i32
    %dma_start3A_19 = arith.constant 0 : i32
    %dma_start3A_20 = tpu.memref_slice %arg10[%dma_start3A, %dma_start3A_19] : memref<256x8xf32, #tpu.memory_space<vmem>> -> memref<128x8xf32, #tpu.memory_space<vmem>>
    %dma_start3A_21 = arith.constant 0 : i32
    %dma_start3A_22 = tpu.memref_slice %arg6[%add3A_18, %dma_start3A_21] : memref<16384x8xf32, #tpu.memory_space<hbm>> -> memref<128x8xf32, #tpu.memory_space<hbm>>
    %dma_start3A_23 = arith.constant 0 : i32
    %dma_start3A_24 = tpu.memref_slice %arg6[%add3A_18, %dma_start3A_23] : memref<16384x8xf32, #tpu.memory_space<hbm>> -> memref<128x8xf32, #tpu.memory_space<hbm>>
    %dma_start3A_25 = arith.constant 0 : i32
    %dma_start3A_26 = arith.constant 0 : i32
    %dma_start3A_27 = tpu.memref_slice %arg10[%dma_start3A_25, %dma_start3A_26] : memref<256x8xf32, #tpu.memory_space<vmem>> -> memref<128x8xf32, #tpu.memory_space<vmem>>
    tpu.enqueue_dma source(%dma_start3A_27 : memref<128x8xf32, #tpu.memory_space<vmem>>) target(%dma_start3A_24 : memref<128x8xf32, #tpu.memory_space<hbm>>) target_semaphore(%arg13 : memref<!tpu.dma_semaphore, #tpu.memory_space<semaphore_mem>>)
    %add3A_28 = arith.constant 0 : i32
    %add3A_29 = arith.addi %mul3A_2, %add3A_28 : i32
    %dma_wait3A = arith.constant 0 : i32
    %dma_wait3A_30 = arith.constant 0 : i32
    %dma_wait3A_31 = tpu.memref_slice %arg10[%dma_wait3A, %dma_wait3A_30] : memref<256x8xf32, #tpu.memory_space<vmem>> -> memref<128x8xf32, #tpu.memory_space<vmem>>
    %dma_wait3A_32 = arith.constant 0 : i32
    %dma_wait3A_33 = tpu.memref_slice %arg6[%add3A_29, %dma_wait3A_32] : memref<16384x8xf32, #tpu.memory_space<hbm>> -> memref<128x8xf32, #tpu.memory_space<hbm>>
    %dma_wait3A_34 = arith.constant 0 : i32
    %dma_wait3A_35 = tpu.memref_slice %arg6[%add3A_29, %dma_wait3A_34] : memref<16384x8xf32, #tpu.memory_space<hbm>> -> memref<128x8xf32, #tpu.memory_space<hbm>>
    %dma_wait3A_36 = arith.constant 0 : i32
    %dma_wait3A_37 = arith.constant 0 : i32
    %dma_wait3A_38 = tpu.memref_slice %arg10[%dma_wait3A_36, %dma_wait3A_37] : memref<256x8xf32, #tpu.memory_space<vmem>> -> memref<128x8xf32, #tpu.memory_space<vmem>>
    tpu.wait_dma2 semaphore(%arg13 : memref<!tpu.dma_semaphore, #tpu.memory_space<semaphore_mem>>) src(%dma_wait3A_38 : memref<128x8xf32, #tpu.memory_space<vmem>>) dst(%dma_wait3A_35 : memref<128x8xf32, #tpu.memory_space<hbm>>)
    %scan3A_39 = arith.constant 0 : i32
    %scan3A_40 = arith.constant 128 : i32
    %scan3A_41 = arith.addi %scan3A_39, %scan3A_40 : i32
    %scan3A_42 = arith.constant 1 : i32
    scf.for %scan3A_272 = %scan3A_39 to %scan3A_41 step %scan3A_42  : i32 {
      %add3A_273 = arith.constant 256 : i32
      %add3A_274 = arith.addi %add3A_273, %scan3A_272 : i32
      %get3A = arith.index_cast %add3A_274 : i32 to index
      %get3A_275 = tpu.vector_load %arg8[%get3A] {strides = array<i32>} : memref<528xi32, #tpu.memory_space<vmem>>, vector<16xi32>,
      %get3A_276 = vector.shape_cast %get3A_275 : vector<16xi32> to vector<16xi32>
      %slice3A = vector.extract_strided_slice %get3A_276 {offsets = [0], sizes = [1], strides = [1]} : vector<16xi32> to vector<1xi32>
      %squeeze3A = vector.extract %slice3A[0] : i32 from vector<1xi32>
      %add3A_277 = arith.constant 0 : i32
      %add3A_278 = arith.addi %add3A_277, %scan3A_272 : i32
      %dma_start3A_279 = arith.constant 0 : i32
      %dma_start3A_280 = tpu.memref_slice %arg10[%add3A_278, %dma_start3A_279] : memref<256x8xf32, #tpu.memory_space<vmem>> -> memref<1x8xf32, #tpu.memory_space<vmem>>
      %dma_start3A_281 = arith.constant 0 : i32
      %dma_start3A_282 = tpu.memref_slice %arg4[%squeeze3A, %dma_start3A_281] : memref<1000000x8xf32, #tpu.memory_space<hbm>> -> memref<1x8xf32, #tpu.memory_space<hbm>>
      %dma_start3A_283 = arith.constant 0 : i32
      %dma_start3A_284 = tpu.memref_slice %arg10[%add3A_278, %dma_start3A_283] : memref<256x8xf32, #tpu.memory_space<vmem>> -> memref<1x8xf32, #tpu.memory_space<vmem>>
      %dma_start3A_285 = arith.constant 0 : i32
      %dma_start3A_286 = tpu.memref_slice %arg4[%squeeze3A, %dma_start3A_285] : memref<1000000x8xf32, #tpu.memory_space<hbm>> -> memref<1x8xf32, #tpu.memory_space<hbm>>
      tpu.enqueue_dma source(%dma_start3A_286 : memref<1x8xf32, #tpu.memory_space<hbm>>) target(%dma_start3A_284 : memref<1x8xf32, #tpu.memory_space<vmem>>) target_semaphore(%arg11 : memref<!tpu.dma_semaphore, #tpu.memory_space<semaphore_mem>>)
    }
    %scan3A_43 = arith.constant 128 : i32
    %scan3A_44 = arith.constant 0 : i32
    %scan3A_45 = arith.constant 128 : i32
    %scan3A_46 = arith.addi %scan3A_44, %scan3A_45 : i32
    %scan3A_47 = arith.constant 1 : i32
    scf.for %scan3A_272 = %scan3A_44 to %scan3A_46 step %scan3A_47  : i32 {
      %dma_wait3A_273 = arith.constant 0 : i32
      %dma_wait3A_274 = arith.constant 0 : i32
      %dma_wait3A_275 = tpu.memref_slice %arg10[%dma_wait3A_273, %dma_wait3A_274] : memref<256x8xf32, #tpu.memory_space<vmem>> -> memref<1x8xf32, #tpu.memory_space<vmem>>
      %dma_wait3A_276 = arith.constant 0 : i32
      %dma_wait3A_277 = arith.constant 0 : i32
      %dma_wait3A_278 = tpu.memref_slice %arg4[%dma_wait3A_276, %dma_wait3A_277] : memref<1000000x8xf32, #tpu.memory_space<hbm>> -> memref<1x8xf32, #tpu.memory_space<hbm>>
      %dma_wait3A_279 = arith.constant 0 : i32
      %dma_wait3A_280 = arith.constant 0 : i32
      %dma_wait3A_281 = tpu.memref_slice %arg10[%dma_wait3A_279, %dma_wait3A_280] : memref<256x8xf32, #tpu.memory_space<vmem>> -> memref<1x8xf32, #tpu.memory_space<vmem>>
      %dma_wait3A_282 = arith.constant 0 : i32
      %dma_wait3A_283 = arith.constant 0 : i32
      %dma_wait3A_284 = tpu.memref_slice %arg4[%dma_wait3A_282, %dma_wait3A_283] : memref<1000000x8xf32, #tpu.memory_space<hbm>> -> memref<1x8xf32, #tpu.memory_space<hbm>>
      tpu.wait_dma2 semaphore(%arg12 : memref<!tpu.dma_semaphore, #tpu.memory_space<semaphore_mem>>) src(%dma_wait3A_284 : memref<1x8xf32, #tpu.memory_space<hbm>>) dst(%dma_wait3A_281 : memref<1x8xf32, #tpu.memory_space<vmem>>)
    }
    %scan3A_48 = arith.constant 128 : i32
    %add3A_49 = arith.constant 128 : i32
    %add3A_50 = arith.addi %mul3A_2, %add3A_49 : i32
    %dma_start3A_51 = arith.constant 128 : i32
    %dma_start3A_52 = arith.constant 0 : i32
    %dma_start3A_53 = tpu.memref_slice %arg10[%dma_start3A_51, %dma_start3A_52] : memref<256x8xf32, #tpu.memory_space<vmem>> -> memref<128x8xf32, #tpu.memory_space<vmem>>
    %dma_start3A_54 = arith.constant 0 : i32
    %dma_start3A_55 = tpu.memref_slice %arg6[%add3A_50, %dma_start3A_54] : memref<16384x8xf32, #tpu.memory_space<hbm>> -> memref<128x8xf32, #tpu.memory_space<hbm>>
    %dma_start3A_56 = arith.constant 0 : i32
    %dma_start3A_57 = tpu.memref_slice %arg6[%add3A_50, %dma_start3A_56] : memref<16384x8xf32, #tpu.memory_space<hbm>> -> memref<128x8xf32, #tpu.memory_space<hbm>>
    %dma_start3A_58 = arith.constant 128 : i32
    %dma_start3A_59 = arith.constant 0 : i32
    %dma_start3A_60 = tpu.memref_slice %arg10[%dma_start3A_58, %dma_start3A_59] : memref<256x8xf32, #tpu.memory_space<vmem>> -> memref<128x8xf32, #tpu.memory_space<vmem>>
    tpu.enqueue_dma source(%dma_start3A_60 : memref<128x8xf32, #tpu.memory_space<vmem>>) target(%dma_start3A_57 : memref<128x8xf32, #tpu.memory_space<hbm>>) target_semaphore(%arg14 : memref<!tpu.dma_semaphore, #tpu.memory_space<semaphore_mem>>)
    %add3A_61 = arith.constant 128 : i32
    %add3A_62 = arith.addi %mul3A_2, %add3A_61 : i32
    %dma_wait3A_63 = arith.constant 128 : i32
    %dma_wait3A_64 = arith.constant 0 : i32
    %dma_wait3A_65 = tpu.memref_slice %arg10[%dma_wait3A_63, %dma_wait3A_64] : memref<256x8xf32, #tpu.memory_space<vmem>> -> memref<128x8xf32, #tpu.memory_space<vmem>>
    %dma_wait3A_66 = arith.constant 0 : i32
    %dma_wait3A_67 = tpu.memref_slice %arg6[%add3A_62, %dma_wait3A_66] : memref<16384x8xf32, #tpu.memory_space<hbm>> -> memref<128x8xf32, #tpu.memory_space<hbm>>
    %dma_wait3A_68 = arith.constant 0 : i32
    %dma_wait3A_69 = tpu.memref_slice %arg6[%add3A_62, %dma_wait3A_68] : memref<16384x8xf32, #tpu.memory_space<hbm>> -> memref<128x8xf32, #tpu.memory_space<hbm>>
    %dma_wait3A_70 = arith.constant 128 : i32
    %dma_wait3A_71 = arith.constant 0 : i32
    %dma_wait3A_72 = tpu.memref_slice %arg10[%dma_wait3A_70, %dma_wait3A_71] : memref<256x8xf32, #tpu.memory_space<vmem>> -> memref<128x8xf32, #tpu.memory_space<vmem>>
    tpu.wait_dma2 semaphore(%arg14 : memref<!tpu.dma_semaphore, #tpu.memory_space<semaphore_mem>>) src(%dma_wait3A_72 : memref<128x8xf32, #tpu.memory_space<vmem>>) dst(%dma_wait3A_69 : memref<128x8xf32, #tpu.memory_space<hbm>>)
    %scan3A_73 = arith.constant 0 : i32
    %scan3A_74 = arith.constant 128 : i32
    %scan3A_75 = arith.addi %scan3A_73, %scan3A_74 : i32
    %scan3A_76 = arith.constant 1 : i32
    scf.for %scan3A_272 = %scan3A_73 to %scan3A_75 step %scan3A_76  : i32 {
      %add3A_273 = arith.constant 384 : i32
      %add3A_274 = arith.addi %add3A_273, %scan3A_272 : i32
      %get3A = arith.index_cast %add3A_274 : i32 to index
      %get3A_275 = tpu.vector_load %arg8[%get3A] {strides = array<i32>} : memref<528xi32, #tpu.memory_space<vmem>>, vector<16xi32>,
      %get3A_276 = vector.shape_cast %get3A_275 : vector<16xi32> to vector<16xi32>
      %slice3A = vector.extract_strided_slice %get3A_276 {offsets = [0], sizes = [1], strides = [1]} : vector<16xi32> to vector<1xi32>
      %squeeze3A = vector.extract %slice3A[0] : i32 from vector<1xi32>
      %add3A_277 = arith.constant 128 : i32
      %add3A_278 = arith.addi %add3A_277, %scan3A_272 : i32
      %dma_start3A_279 = arith.constant 0 : i32
      %dma_start3A_280 = tpu.memref_slice %arg10[%add3A_278, %dma_start3A_279] : memref<256x8xf32, #tpu.memory_space<vmem>> -> memref<1x8xf32, #tpu.memory_space<vmem>>
      %dma_start3A_281 = arith.constant 0 : i32
      %dma_start3A_282 = tpu.memref_slice %arg4[%squeeze3A, %dma_start3A_281] : memref<1000000x8xf32, #tpu.memory_space<hbm>> -> memref<1x8xf32, #tpu.memory_space<hbm>>
      %dma_start3A_283 = arith.constant 0 : i32
      %dma_start3A_284 = tpu.memref_slice %arg10[%add3A_278, %dma_start3A_283] : memref<256x8xf32, #tpu.memory_space<vmem>> -> memref<1x8xf32, #tpu.memory_space<vmem>>
      %dma_start3A_285 = arith.constant 0 : i32
      %dma_start3A_286 = tpu.memref_slice %arg4[%squeeze3A, %dma_start3A_285] : memref<1000000x8xf32, #tpu.memory_space<hbm>> -> memref<1x8xf32, #tpu.memory_space<hbm>>
      tpu.enqueue_dma source(%dma_start3A_286 : memref<1x8xf32, #tpu.memory_space<hbm>>) target(%dma_start3A_284 : memref<1x8xf32, #tpu.memory_space<vmem>>) target_semaphore(%arg12 : memref<!tpu.dma_semaphore, #tpu.memory_space<semaphore_mem>>)
    }
    %scan3A_77 = arith.constant 128 : i32
    %scan3A_78 = arith.constant 0 : i32
    %scan3A_79 = arith.constant 128 : i32
    %scan3A_80 = arith.addi %scan3A_78, %scan3A_79 : i32
    %scan3A_81 = arith.constant 1 : i32
    scf.for %scan3A_272 = %scan3A_78 to %scan3A_80 step %scan3A_81  : i32 {
      %dma_wait3A_273 = arith.constant 0 : i32
      %dma_wait3A_274 = arith.constant 0 : i32
      %dma_wait3A_275 = tpu.memref_slice %arg10[%dma_wait3A_273, %dma_wait3A_274] : memref<256x8xf32, #tpu.memory_space<vmem>> -> memref<1x8xf32, #tpu.memory_space<vmem>>
      %dma_wait3A_276 = arith.constant 0 : i32
      %dma_wait3A_277 = arith.constant 0 : i32
      %dma_wait3A_278 = tpu.memref_slice %arg4[%dma_wait3A_276, %dma_wait3A_277] : memref<1000000x8xf32, #tpu.memory_space<hbm>> -> memref<1x8xf32, #tpu.memory_space<hbm>>
      %dma_wait3A_279 = arith.constant 0 : i32
      %dma_wait3A_280 = arith.constant 0 : i32
      %dma_wait3A_281 = tpu.memref_slice %arg10[%dma_wait3A_279, %dma_wait3A_280] : memref<256x8xf32, #tpu.memory_space<vmem>> -> memref<1x8xf32, #tpu.memory_space<vmem>>
      %dma_wait3A_282 = arith.constant 0 : i32
      %dma_wait3A_283 = arith.constant 0 : i32
      %dma_wait3A_284 = tpu.memref_slice %arg4[%dma_wait3A_282, %dma_wait3A_283] : memref<1000000x8xf32, #tpu.memory_space<hbm>> -> memref<1x8xf32, #tpu.memory_space<hbm>>
      tpu.wait_dma2 semaphore(%arg11 : memref<!tpu.dma_semaphore, #tpu.memory_space<semaphore_mem>>) src(%dma_wait3A_284 : memref<1x8xf32, #tpu.memory_space<hbm>>) dst(%dma_wait3A_281 : memref<1x8xf32, #tpu.memory_space<vmem>>)
    }
    %scan3A_82 = arith.constant 128 : i32
    %add3A_83 = arith.constant 256 : i32
    %add3A_84 = arith.addi %mul3A_2, %add3A_83 : i32
    %dma_start3A_85 = arith.constant 0 : i32
    %dma_start3A_86 = arith.constant 0 : i32
    %dma_start3A_87 = tpu.memref_slice %arg10[%dma_start3A_85, %dma_start3A_86] : memref<256x8xf32, #tpu.memory_space<vmem>> -> memref<128x8xf32, #tpu.memory_space<vmem>>
    %dma_start3A_88 = arith.constant 0 : i32
    %dma_start3A_89 = tpu.memref_slice %arg6[%add3A_84, %dma_start3A_88] : memref<16384x8xf32, #tpu.memory_space<hbm>> -> memref<128x8xf32, #tpu.memory_space<hbm>>
    %dma_start3A_90 = arith.constant 0 : i32
    %dma_start3A_91 = tpu.memref_slice %arg6[%add3A_84, %dma_start3A_90] : memref<16384x8xf32, #tpu.memory_space<hbm>> -> memref<128x8xf32, #tpu.memory_space<hbm>>
    %dma_start3A_92 = arith.constant 0 : i32
    %dma_start3A_93 = arith.constant 0 : i32
    %dma_start3A_94 = tpu.memref_slice %arg10[%dma_start3A_92, %dma_start3A_93] : memref<256x8xf32, #tpu.memory_space<vmem>> -> memref<128x8xf32, #tpu.memory_space<vmem>>
    tpu.enqueue_dma source(%dma_start3A_94 : memref<128x8xf32, #tpu.memory_space<vmem>>) target(%dma_start3A_91 : memref<128x8xf32, #tpu.memory_space<hbm>>) target_semaphore(%arg13 : memref<!tpu.dma_semaphore, #tpu.memory_space<semaphore_mem>>)
    %scan3A_95 = arith.constant 0 : i32
    %scan3A_96 = arith.constant 128 : i32
    %scan3A_97 = arith.addi %scan3A_95, %scan3A_96 : i32
    %scan3A_98 = arith.constant 1 : i32
    scf.for %scan3A_272 = %scan3A_95 to %scan3A_97 step %scan3A_98  : i32 {
      %dma_wait3A_273 = arith.constant 0 : i32
      %dma_wait3A_274 = arith.constant 0 : i32
      %dma_wait3A_275 = tpu.memref_slice %arg10[%dma_wait3A_273, %dma_wait3A_274] : memref<256x8xf32, #tpu.memory_space<vmem>> -> memref<1x8xf32, #tpu.memory_space<vmem>>
      %dma_wait3A_276 = arith.constant 0 : i32
      %dma_wait3A_277 = arith.constant 0 : i32
      %dma_wait3A_278 = tpu.memref_slice %arg4[%dma_wait3A_276, %dma_wait3A_277] : memref<1000000x8xf32, #tpu.memory_space<hbm>> -> memref<1x8xf32, #tpu.memory_space<hbm>>
      %dma_wait3A_279 = arith.constant 0 : i32
      %dma_wait3A_280 = arith.constant 0 : i32
      %dma_wait3A_281 = tpu.memref_slice %arg10[%dma_wait3A_279, %dma_wait3A_280] : memref<256x8xf32, #tpu.memory_space<vmem>> -> memref<1x8xf32, #tpu.memory_space<vmem>>
      %dma_wait3A_282 = arith.constant 0 : i32
      %dma_wait3A_283 = arith.constant 0 : i32
      %dma_wait3A_284 = tpu.memref_slice %arg4[%dma_wait3A_282, %dma_wait3A_283] : memref<1000000x8xf32, #tpu.memory_space<hbm>> -> memref<1x8xf32, #tpu.memory_space<hbm>>
      tpu.wait_dma2 semaphore(%arg12 : memref<!tpu.dma_semaphore, #tpu.memory_space<semaphore_mem>>) src(%dma_wait3A_284 : memref<1x8xf32, #tpu.memory_space<hbm>>) dst(%dma_wait3A_281 : memref<1x8xf32, #tpu.memory_space<vmem>>)
    }
    %scan3A_99 = arith.constant 128 : i32
    %add3A_100 = arith.constant 384 : i32
    %add3A_101 = arith.addi %mul3A_2, %add3A_100 : i32
    %dma_start3A_102 = arith.constant 128 : i32
    %dma_start3A_103 = arith.constant 0 : i32
    %dma_start3A_104 = tpu.memref_slice %arg10[%dma_start3A_102, %dma_start3A_103] : memref<256x8xf32, #tpu.memory_space<vmem>> -> memref<128x8xf32, #tpu.memory_space<vmem>>
    %dma_start3A_105 = arith.constant 0 : i32
    %dma_start3A_106 = tpu.memref_slice %arg6[%add3A_101, %dma_start3A_105] : memref<16384x8xf32, #tpu.memory_space<hbm>> -> memref<128x8xf32, #tpu.memory_space<hbm>>
    %dma_start3A_107 = arith.constant 0 : i32
    %dma_start3A_108 = tpu.memref_slice %arg6[%add3A_101, %dma_start3A_107] : memref<16384x8xf32, #tpu.memory_space<hbm>> -> memref<128x8xf32, #tpu.memory_space<hbm>>
    %dma_start3A_109 = arith.constant 128 : i32
    %dma_start3A_110 = arith.constant 0 : i32
    %dma_start3A_111 = tpu.memref_slice %arg10[%dma_start3A_109, %dma_start3A_110] : memref<256x8xf32, #tpu.memory_space<vmem>> -> memref<128x8xf32, #tpu.memory_space<vmem>>
    tpu.enqueue_dma source(%dma_start3A_111 : memref<128x8xf32, #tpu.memory_space<vmem>>) target(%dma_start3A_108 : memref<128x8xf32, #tpu.memory_space<hbm>>) target_semaphore(%arg14 : memref<!tpu.dma_semaphore, #tpu.memory_space<semaphore_mem>>)
    %add3A_112 = arith.constant 256 : i32
    %add3A_113 = arith.addi %mul3A_2, %add3A_112 : i32
    %dma_wait3A_114 = arith.constant 0 : i32
    %dma_wait3A_115 = arith.constant 0 : i32
    %dma_wait3A_116 = tpu.memref_slice %arg10[%dma_wait3A_114, %dma_wait3A_115] : memref<256x8xf32, #tpu.memory_space<vmem>> -> memref<128x8xf32, #tpu.memory_space<vmem>>
    %dma_wait3A_117 = arith.constant 0 : i32
    %dma_wait3A_118 = tpu.memref_slice %arg6[%add3A_113, %dma_wait3A_117] : memref<16384x8xf32, #tpu.memory_space<hbm>> -> memref<128x8xf32, #tpu.memory_space<hbm>>
    %dma_wait3A_119 = arith.constant 0 : i32
    %dma_wait3A_120 = tpu.memref_slice %arg6[%add3A_113, %dma_wait3A_119] : memref<16384x8xf32, #tpu.memory_space<hbm>> -> memref<128x8xf32, #tpu.memory_space<hbm>>
    %dma_wait3A_121 = arith.constant 0 : i32
    %dma_wait3A_122 = arith.constant 0 : i32
    %dma_wait3A_123 = tpu.memref_slice %arg10[%dma_wait3A_121, %dma_wait3A_122] : memref<256x8xf32, #tpu.memory_space<vmem>> -> memref<128x8xf32, #tpu.memory_space<vmem>>
    tpu.wait_dma2 semaphore(%arg13 : memref<!tpu.dma_semaphore, #tpu.memory_space<semaphore_mem>>) src(%dma_wait3A_123 : memref<128x8xf32, #tpu.memory_space<vmem>>) dst(%dma_wait3A_120 : memref<128x8xf32, #tpu.memory_space<hbm>>)
    %add3A_124 = arith.constant 384 : i32
    %add3A_125 = arith.addi %mul3A_2, %add3A_124 : i32
    %dma_wait3A_126 = arith.constant 128 : i32
    %dma_wait3A_127 = arith.constant 0 : i32
    %dma_wait3A_128 = tpu.memref_slice %arg10[%dma_wait3A_126, %dma_wait3A_127] : memref<256x8xf32, #tpu.memory_space<vmem>> -> memref<128x8xf32, #tpu.memory_space<vmem>>
    %dma_wait3A_129 = arith.constant 0 : i32
    %dma_wait3A_130 = tpu.memref_slice %arg6[%add3A_125, %dma_wait3A_129] : memref<16384x8xf32, #tpu.memory_space<hbm>> -> memref<128x8xf32, #tpu.memory_space<hbm>>
    %dma_wait3A_131 = arith.constant 0 : i32
    %dma_wait3A_132 = tpu.memref_slice %arg6[%add3A_125, %dma_wait3A_131] : memref<16384x8xf32, #tpu.memory_space<hbm>> -> memref<128x8xf32, #tpu.memory_space<hbm>>
    %dma_wait3A_133 = arith.constant 128 : i32
    %dma_wait3A_134 = arith.constant 0 : i32
    %dma_wait3A_135 = tpu.memref_slice %arg10[%dma_wait3A_133, %dma_wait3A_134] : memref<256x8xf32, #tpu.memory_space<vmem>> -> memref<128x8xf32, #tpu.memory_space<vmem>>
    tpu.wait_dma2 semaphore(%arg14 : memref<!tpu.dma_semaphore, #tpu.memory_space<semaphore_mem>>) src(%dma_wait3A_135 : memref<128x8xf32, #tpu.memory_space<vmem>>) dst(%dma_wait3A_132 : memref<128x8xf32, #tpu.memory_space<hbm>>)
    %scan3A_136 = arith.constant 0 : i32
    %scan3A_137 = arith.constant 128 : i32
    %scan3A_138 = arith.addi %scan3A_136, %scan3A_137 : i32
    %scan3A_139 = arith.constant 1 : i32
    scf.for %scan3A_272 = %scan3A_136 to %scan3A_138 step %scan3A_139  : i32 {
      %add3A_273 = arith.constant 0 : i32
      %add3A_274 = arith.addi %add3A_273, %scan3A_272 : i32
      %get3A = arith.index_cast %add3A_274 : i32 to index
      %get3A_275 = tpu.vector_load %arg9[%get3A] {strides = array<i32>} : memref<528xi32, #tpu.memory_space<vmem>>, vector<16xi32>,
      %get3A_276 = vector.shape_cast %get3A_275 : vector<16xi32> to vector<16xi32>
      %slice3A = vector.extract_strided_slice %get3A_276 {offsets = [0], sizes = [1], strides = [1]} : vector<16xi32> to vector<1xi32>
      %squeeze3A = vector.extract %slice3A[0] : i32 from vector<1xi32>
      %add3A_277 = arith.constant 0 : i32
      %add3A_278 = arith.addi %add3A_277, %scan3A_272 : i32
      %dma_start3A_279 = arith.constant 0 : i32
      %dma_start3A_280 = tpu.memref_slice %arg10[%add3A_278, %dma_start3A_279] : memref<256x8xf32, #tpu.memory_space<vmem>> -> memref<1x8xf32, #tpu.memory_space<vmem>>
      %dma_start3A_281 = arith.constant 0 : i32
      %dma_start3A_282 = tpu.memref_slice %arg5[%squeeze3A, %dma_start3A_281] : memref<1000000x8xf32, #tpu.memory_space<hbm>> -> memref<1x8xf32, #tpu.memory_space<hbm>>
      %dma_start3A_283 = arith.constant 0 : i32
      %dma_start3A_284 = tpu.memref_slice %arg10[%add3A_278, %dma_start3A_283] : memref<256x8xf32, #tpu.memory_space<vmem>> -> memref<1x8xf32, #tpu.memory_space<vmem>>
      %dma_start3A_285 = arith.constant 0 : i32
      %dma_start3A_286 = tpu.memref_slice %arg5[%squeeze3A, %dma_start3A_285] : memref<1000000x8xf32, #tpu.memory_space<hbm>> -> memref<1x8xf32, #tpu.memory_space<hbm>>
      tpu.enqueue_dma source(%dma_start3A_286 : memref<1x8xf32, #tpu.memory_space<hbm>>) target(%dma_start3A_284 : memref<1x8xf32, #tpu.memory_space<vmem>>) target_semaphore(%arg11 : memref<!tpu.dma_semaphore, #tpu.memory_space<semaphore_mem>>)
    }
    %scan3A_140 = arith.constant 128 : i32
    %scan3A_141 = arith.constant 0 : i32
    %scan3A_142 = arith.constant 128 : i32
    %scan3A_143 = arith.addi %scan3A_141, %scan3A_142 : i32
    %scan3A_144 = arith.constant 1 : i32
    scf.for %scan3A_272 = %scan3A_141 to %scan3A_143 step %scan3A_144  : i32 {
      %add3A_273 = arith.constant 128 : i32
      %add3A_274 = arith.addi %add3A_273, %scan3A_272 : i32
      %get3A = arith.index_cast %add3A_274 : i32 to index
      %get3A_275 = tpu.vector_load %arg9[%get3A] {strides = array<i32>} : memref<528xi32, #tpu.memory_space<vmem>>, vector<16xi32>,
      %get3A_276 = vector.shape_cast %get3A_275 : vector<16xi32> to vector<16xi32>
      %slice3A = vector.extract_strided_slice %get3A_276 {offsets = [0], sizes = [1], strides = [1]} : vector<16xi32> to vector<1xi32>
      %squeeze3A = vector.extract %slice3A[0] : i32 from vector<1xi32>
      %add3A_277 = arith.constant 128 : i32
      %add3A_278 = arith.addi %add3A_277, %scan3A_272 : i32
      %dma_start3A_279 = arith.constant 0 : i32
      %dma_start3A_280 = tpu.memref_slice %arg10[%add3A_278, %dma_start3A_279] : memref<256x8xf32, #tpu.memory_space<vmem>> -> memref<1x8xf32, #tpu.memory_space<vmem>>
      %dma_start3A_281 = arith.constant 0 : i32
      %dma_start3A_282 = tpu.memref_slice %arg5[%squeeze3A, %dma_start3A_281] : memref<1000000x8xf32, #tpu.memory_space<hbm>> -> memref<1x8xf32, #tpu.memory_space<hbm>>
      %dma_start3A_283 = arith.constant 0 : i32
      %dma_start3A_284 = tpu.memref_slice %arg10[%add3A_278, %dma_start3A_283] : memref<256x8xf32, #tpu.memory_space<vmem>> -> memref<1x8xf32, #tpu.memory_space<vmem>>
      %dma_start3A_285 = arith.constant 0 : i32
      %dma_start3A_286 = tpu.memref_slice %arg5[%squeeze3A, %dma_start3A_285] : memref<1000000x8xf32, #tpu.memory_space<hbm>> -> memref<1x8xf32, #tpu.memory_space<hbm>>
      tpu.enqueue_dma source(%dma_start3A_286 : memref<1x8xf32, #tpu.memory_space<hbm>>) target(%dma_start3A_284 : memref<1x8xf32, #tpu.memory_space<vmem>>) target_semaphore(%arg12 : memref<!tpu.dma_semaphore, #tpu.memory_space<semaphore_mem>>)
    }
    %scan3A_145 = arith.constant 128 : i32
    %scan3A_146 = arith.constant 0 : i32
    %scan3A_147 = arith.constant 128 : i32
    %scan3A_148 = arith.addi %scan3A_146, %scan3A_147 : i32
    %scan3A_149 = arith.constant 1 : i32
    scf.for %scan3A_272 = %scan3A_146 to %scan3A_148 step %scan3A_149  : i32 {
      %dma_wait3A_273 = arith.constant 0 : i32
      %dma_wait3A_274 = arith.constant 0 : i32
      %dma_wait3A_275 = tpu.memref_slice %arg10[%dma_wait3A_273, %dma_wait3A_274] : memref<256x8xf32, #tpu.memory_space<vmem>> -> memref<1x8xf32, #tpu.memory_space<vmem>>
      %dma_wait3A_276 = arith.constant 0 : i32
      %dma_wait3A_277 = arith.constant 0 : i32
      %dma_wait3A_278 = tpu.memref_slice %arg5[%dma_wait3A_276, %dma_wait3A_277] : memref<1000000x8xf32, #tpu.memory_space<hbm>> -> memref<1x8xf32, #tpu.memory_space<hbm>>
      %dma_wait3A_279 = arith.constant 0 : i32
      %dma_wait3A_280 = arith.constant 0 : i32
      %dma_wait3A_281 = tpu.memref_slice %arg10[%dma_wait3A_279, %dma_wait3A_280] : memref<256x8xf32, #tpu.memory_space<vmem>> -> memref<1x8xf32, #tpu.memory_space<vmem>>
      %dma_wait3A_282 = arith.constant 0 : i32
      %dma_wait3A_283 = arith.constant 0 : i32
      %dma_wait3A_284 = tpu.memref_slice %arg5[%dma_wait3A_282, %dma_wait3A_283] : memref<1000000x8xf32, #tpu.memory_space<hbm>> -> memref<1x8xf32, #tpu.memory_space<hbm>>
      tpu.wait_dma2 semaphore(%arg11 : memref<!tpu.dma_semaphore, #tpu.memory_space<semaphore_mem>>) src(%dma_wait3A_284 : memref<1x8xf32, #tpu.memory_space<hbm>>) dst(%dma_wait3A_281 : memref<1x8xf32, #tpu.memory_space<vmem>>)
    }
    %scan3A_150 = arith.constant 128 : i32
    %add3A_151 = arith.constant 0 : i32
    %add3A_152 = arith.addi %mul3A_2, %add3A_151 : i32
    %dma_start3A_153 = arith.constant 0 : i32
    %dma_start3A_154 = arith.constant 0 : i32
    %dma_start3A_155 = tpu.memref_slice %arg10[%dma_start3A_153, %dma_start3A_154] : memref<256x8xf32, #tpu.memory_space<vmem>> -> memref<128x8xf32, #tpu.memory_space<vmem>>
    %dma_start3A_156 = arith.constant 0 : i32
    %dma_start3A_157 = tpu.memref_slice %arg7[%add3A_152, %dma_start3A_156] : memref<16384x8xf32, #tpu.memory_space<hbm>> -> memref<128x8xf32, #tpu.memory_space<hbm>>
    %dma_start3A_158 = arith.constant 0 : i32
    %dma_start3A_159 = tpu.memref_slice %arg7[%add3A_152, %dma_start3A_158] : memref<16384x8xf32, #tpu.memory_space<hbm>> -> memref<128x8xf32, #tpu.memory_space<hbm>>
    %dma_start3A_160 = arith.constant 0 : i32
    %dma_start3A_161 = arith.constant 0 : i32
    %dma_start3A_162 = tpu.memref_slice %arg10[%dma_start3A_160, %dma_start3A_161] : memref<256x8xf32, #tpu.memory_space<vmem>> -> memref<128x8xf32, #tpu.memory_space<vmem>>
    tpu.enqueue_dma source(%dma_start3A_162 : memref<128x8xf32, #tpu.memory_space<vmem>>) target(%dma_start3A_159 : memref<128x8xf32, #tpu.memory_space<hbm>>) target_semaphore(%arg13 : memref<!tpu.dma_semaphore, #tpu.memory_space<semaphore_mem>>)
    %add3A_163 = arith.constant 0 : i32
    %add3A_164 = arith.addi %mul3A_2, %add3A_163 : i32
    %dma_wait3A_165 = arith.constant 0 : i32
    %dma_wait3A_166 = arith.constant 0 : i32
    %dma_wait3A_167 = tpu.memref_slice %arg10[%dma_wait3A_165, %dma_wait3A_166] : memref<256x8xf32, #tpu.memory_space<vmem>> -> memref<128x8xf32, #tpu.memory_space<vmem>>
    %dma_wait3A_168 = arith.constant 0 : i32
    %dma_wait3A_169 = tpu.memref_slice %arg7[%add3A_164, %dma_wait3A_168] : memref<16384x8xf32, #tpu.memory_space<hbm>> -> memref<128x8xf32, #tpu.memory_space<hbm>>
    %dma_wait3A_170 = arith.constant 0 : i32
    %dma_wait3A_171 = tpu.memref_slice %arg7[%add3A_164, %dma_wait3A_170] : memref<16384x8xf32, #tpu.memory_space<hbm>> -> memref<128x8xf32, #tpu.memory_space<hbm>>
    %dma_wait3A_172 = arith.constant 0 : i32
    %dma_wait3A_173 = arith.constant 0 : i32
    %dma_wait3A_174 = tpu.memref_slice %arg10[%dma_wait3A_172, %dma_wait3A_173] : memref<256x8xf32, #tpu.memory_space<vmem>> -> memref<128x8xf32, #tpu.memory_space<vmem>>
    tpu.wait_dma2 semaphore(%arg13 : memref<!tpu.dma_semaphore, #tpu.memory_space<semaphore_mem>>) src(%dma_wait3A_174 : memref<128x8xf32, #tpu.memory_space<vmem>>) dst(%dma_wait3A_171 : memref<128x8xf32, #tpu.memory_space<hbm>>)
    %scan3A_175 = arith.constant 0 : i32
    %scan3A_176 = arith.constant 128 : i32
    %scan3A_177 = arith.addi %scan3A_175, %scan3A_176 : i32
    %scan3A_178 = arith.constant 1 : i32
    scf.for %scan3A_272 = %scan3A_175 to %scan3A_177 step %scan3A_178  : i32 {
      %add3A_273 = arith.constant 256 : i32
      %add3A_274 = arith.addi %add3A_273, %scan3A_272 : i32
      %get3A = arith.index_cast %add3A_274 : i32 to index
      %get3A_275 = tpu.vector_load %arg9[%get3A] {strides = array<i32>} : memref<528xi32, #tpu.memory_space<vmem>>, vector<16xi32>,
      %get3A_276 = vector.shape_cast %get3A_275 : vector<16xi32> to vector<16xi32>
      %slice3A = vector.extract_strided_slice %get3A_276 {offsets = [0], sizes = [1], strides = [1]} : vector<16xi32> to vector<1xi32>
      %squeeze3A = vector.extract %slice3A[0] : i32 from vector<1xi32>
      %add3A_277 = arith.constant 0 : i32
      %add3A_278 = arith.addi %add3A_277, %scan3A_272 : i32
      %dma_start3A_279 = arith.constant 0 : i32
      %dma_start3A_280 = tpu.memref_slice %arg10[%add3A_278, %dma_start3A_279] : memref<256x8xf32, #tpu.memory_space<vmem>> -> memref<1x8xf32, #tpu.memory_space<vmem>>
      %dma_start3A_281 = arith.constant 0 : i32
      %dma_start3A_282 = tpu.memref_slice %arg5[%squeeze3A, %dma_start3A_281] : memref<1000000x8xf32, #tpu.memory_space<hbm>> -> memref<1x8xf32, #tpu.memory_space<hbm>>
      %dma_start3A_283 = arith.constant 0 : i32
      %dma_start3A_284 = tpu.memref_slice %arg10[%add3A_278, %dma_start3A_283] : memref<256x8xf32, #tpu.memory_space<vmem>> -> memref<1x8xf32, #tpu.memory_space<vmem>>
      %dma_start3A_285 = arith.constant 0 : i32
      %dma_start3A_286 = tpu.memref_slice %arg5[%squeeze3A, %dma_start3A_285] : memref<1000000x8xf32, #tpu.memory_space<hbm>> -> memref<1x8xf32, #tpu.memory_space<hbm>>
      tpu.enqueue_dma source(%dma_start3A_286 : memref<1x8xf32, #tpu.memory_space<hbm>>) target(%dma_start3A_284 : memref<1x8xf32, #tpu.memory_space<vmem>>) target_semaphore(%arg11 : memref<!tpu.dma_semaphore, #tpu.memory_space<semaphore_mem>>)
    }
    %scan3A_179 = arith.constant 128 : i32
    %scan3A_180 = arith.constant 0 : i32
    %scan3A_181 = arith.constant 128 : i32
    %scan3A_182 = arith.addi %scan3A_180, %scan3A_181 : i32
    %scan3A_183 = arith.constant 1 : i32
    scf.for %scan3A_272 = %scan3A_180 to %scan3A_182 step %scan3A_183  : i32 {
      %dma_wait3A_273 = arith.constant 0 : i32
      %dma_wait3A_274 = arith.constant 0 : i32
      %dma_wait3A_275 = tpu.memref_slice %arg10[%dma_wait3A_273, %dma_wait3A_274] : memref<256x8xf32, #tpu.memory_space<vmem>> -> memref<1x8xf32, #tpu.memory_space<vmem>>
      %dma_wait3A_276 = arith.constant 0 : i32
      %dma_wait3A_277 = arith.constant 0 : i32
      %dma_wait3A_278 = tpu.memref_slice %arg5[%dma_wait3A_276, %dma_wait3A_277] : memref<1000000x8xf32, #tpu.memory_space<hbm>> -> memref<1x8xf32, #tpu.memory_space<hbm>>
      %dma_wait3A_279 = arith.constant 0 : i32
      %dma_wait3A_280 = arith.constant 0 : i32
      %dma_wait3A_281 = tpu.memref_slice %arg10[%dma_wait3A_279, %dma_wait3A_280] : memref<256x8xf32, #tpu.memory_space<vmem>> -> memref<1x8xf32, #tpu.memory_space<vmem>>
      %dma_wait3A_282 = arith.constant 0 : i32
      %dma_wait3A_283 = arith.constant 0 : i32
      %dma_wait3A_284 = tpu.memref_slice %arg5[%dma_wait3A_282, %dma_wait3A_283] : memref<1000000x8xf32, #tpu.memory_space<hbm>> -> memref<1x8xf32, #tpu.memory_space<hbm>>
      tpu.wait_dma2 semaphore(%arg12 : memref<!tpu.dma_semaphore, #tpu.memory_space<semaphore_mem>>) src(%dma_wait3A_284 : memref<1x8xf32, #tpu.memory_space<hbm>>) dst(%dma_wait3A_281 : memref<1x8xf32, #tpu.memory_space<vmem>>)
    }
    %scan3A_184 = arith.constant 128 : i32
    %add3A_185 = arith.constant 128 : i32
    %add3A_186 = arith.addi %mul3A_2, %add3A_185 : i32
    %dma_start3A_187 = arith.constant 128 : i32
    %dma_start3A_188 = arith.constant 0 : i32
    %dma_start3A_189 = tpu.memref_slice %arg10[%dma_start3A_187, %dma_start3A_188] : memref<256x8xf32, #tpu.memory_space<vmem>> -> memref<128x8xf32, #tpu.memory_space<vmem>>
    %dma_start3A_190 = arith.constant 0 : i32
    %dma_start3A_191 = tpu.memref_slice %arg7[%add3A_186, %dma_start3A_190] : memref<16384x8xf32, #tpu.memory_space<hbm>> -> memref<128x8xf32, #tpu.memory_space<hbm>>
    %dma_start3A_192 = arith.constant 0 : i32
    %dma_start3A_193 = tpu.memref_slice %arg7[%add3A_186, %dma_start3A_192] : memref<16384x8xf32, #tpu.memory_space<hbm>> -> memref<128x8xf32, #tpu.memory_space<hbm>>
    %dma_start3A_194 = arith.constant 128 : i32
    %dma_start3A_195 = arith.constant 0 : i32
    %dma_start3A_196 = tpu.memref_slice %arg10[%dma_start3A_194, %dma_start3A_195] : memref<256x8xf32, #tpu.memory_space<vmem>> -> memref<128x8xf32, #tpu.memory_space<vmem>>
    tpu.enqueue_dma source(%dma_start3A_196 : memref<128x8xf32, #tpu.memory_space<vmem>>) target(%dma_start3A_193 : memref<128x8xf32, #tpu.memory_space<hbm>>) target_semaphore(%arg14 : memref<!tpu.dma_semaphore, #tpu.memory_space<semaphore_mem>>)
    %add3A_197 = arith.constant 128 : i32
    %add3A_198 = arith.addi %mul3A_2, %add3A_197 : i32
    %dma_wait3A_199 = arith.constant 128 : i32
    %dma_wait3A_200 = arith.constant 0 : i32
    %dma_wait3A_201 = tpu.memref_slice %arg10[%dma_wait3A_199, %dma_wait3A_200] : memref<256x8xf32, #tpu.memory_space<vmem>> -> memref<128x8xf32, #tpu.memory_space<vmem>>
    %dma_wait3A_202 = arith.constant 0 : i32
    %dma_wait3A_203 = tpu.memref_slice %arg7[%add3A_198, %dma_wait3A_202] : memref<16384x8xf32, #tpu.memory_space<hbm>> -> memref<128x8xf32, #tpu.memory_space<hbm>>
    %dma_wait3A_204 = arith.constant 0 : i32
    %dma_wait3A_205 = tpu.memref_slice %arg7[%add3A_198, %dma_wait3A_204] : memref<16384x8xf32, #tpu.memory_space<hbm>> -> memref<128x8xf32, #tpu.memory_space<hbm>>
    %dma_wait3A_206 = arith.constant 128 : i32
    %dma_wait3A_207 = arith.constant 0 : i32
    %dma_wait3A_208 = tpu.memref_slice %arg10[%dma_wait3A_206, %dma_wait3A_207] : memref<256x8xf32, #tpu.memory_space<vmem>> -> memref<128x8xf32, #tpu.memory_space<vmem>>
    tpu.wait_dma2 semaphore(%arg14 : memref<!tpu.dma_semaphore, #tpu.memory_space<semaphore_mem>>) src(%dma_wait3A_208 : memref<128x8xf32, #tpu.memory_space<vmem>>) dst(%dma_wait3A_205 : memref<128x8xf32, #tpu.memory_space<hbm>>)
    %scan3A_209 = arith.constant 0 : i32
    %scan3A_210 = arith.constant 128 : i32
    %scan3A_211 = arith.addi %scan3A_209, %scan3A_210 : i32
    %scan3A_212 = arith.constant 1 : i32
    scf.for %scan3A_272 = %scan3A_209 to %scan3A_211 step %scan3A_212  : i32 {
      %add3A_273 = arith.constant 384 : i32
      %add3A_274 = arith.addi %add3A_273, %scan3A_272 : i32
      %get3A = arith.index_cast %add3A_274 : i32 to index
      %get3A_275 = tpu.vector_load %arg9[%get3A] {strides = array<i32>} : memref<528xi32, #tpu.memory_space<vmem>>, vector<16xi32>,
      %get3A_276 = vector.shape_cast %get3A_275 : vector<16xi32> to vector<16xi32>
      %slice3A = vector.extract_strided_slice %get3A_276 {offsets = [0], sizes = [1], strides = [1]} : vector<16xi32> to vector<1xi32>
      %squeeze3A = vector.extract %slice3A[0] : i32 from vector<1xi32>
      %add3A_277 = arith.constant 128 : i32
      %add3A_278 = arith.addi %add3A_277, %scan3A_272 : i32
      %dma_start3A_279 = arith.constant 0 : i32
      %dma_start3A_280 = tpu.memref_slice %arg10[%add3A_278, %dma_start3A_279] : memref<256x8xf32, #tpu.memory_space<vmem>> -> memref<1x8xf32, #tpu.memory_space<vmem>>
      %dma_start3A_281 = arith.constant 0 : i32
      %dma_start3A_282 = tpu.memref_slice %arg5[%squeeze3A, %dma_start3A_281] : memref<1000000x8xf32, #tpu.memory_space<hbm>> -> memref<1x8xf32, #tpu.memory_space<hbm>>
      %dma_start3A_283 = arith.constant 0 : i32
      %dma_start3A_284 = tpu.memref_slice %arg10[%add3A_278, %dma_start3A_283] : memref<256x8xf32, #tpu.memory_space<vmem>> -> memref<1x8xf32, #tpu.memory_space<vmem>>
      %dma_start3A_285 = arith.constant 0 : i32
      %dma_start3A_286 = tpu.memref_slice %arg5[%squeeze3A, %dma_start3A_285] : memref<1000000x8xf32, #tpu.memory_space<hbm>> -> memref<1x8xf32, #tpu.memory_space<hbm>>
      tpu.enqueue_dma source(%dma_start3A_286 : memref<1x8xf32, #tpu.memory_space<hbm>>) target(%dma_start3A_284 : memref<1x8xf32, #tpu.memory_space<vmem>>) target_semaphore(%arg12 : memref<!tpu.dma_semaphore, #tpu.memory_space<semaphore_mem>>)
    }
    %scan3A_213 = arith.constant 128 : i32
    %scan3A_214 = arith.constant 0 : i32
    %scan3A_215 = arith.constant 128 : i32
    %scan3A_216 = arith.addi %scan3A_214, %scan3A_215 : i32
    %scan3A_217 = arith.constant 1 : i32
    scf.for %scan3A_272 = %scan3A_214 to %scan3A_216 step %scan3A_217  : i32 {
      %dma_wait3A_273 = arith.constant 0 : i32
      %dma_wait3A_274 = arith.constant 0 : i32
      %dma_wait3A_275 = tpu.memref_slice %arg10[%dma_wait3A_273, %dma_wait3A_274] : memref<256x8xf32, #tpu.memory_space<vmem>> -> memref<1x8xf32, #tpu.memory_space<vmem>>
      %dma_wait3A_276 = arith.constant 0 : i32
      %dma_wait3A_277 = arith.constant 0 : i32
      %dma_wait3A_278 = tpu.memref_slice %arg5[%dma_wait3A_276, %dma_wait3A_277] : memref<1000000x8xf32, #tpu.memory_space<hbm>> -> memref<1x8xf32, #tpu.memory_space<hbm>>
      %dma_wait3A_279 = arith.constant 0 : i32
      %dma_wait3A_280 = arith.constant 0 : i32
      %dma_wait3A_281 = tpu.memref_slice %arg10[%dma_wait3A_279, %dma_wait3A_280] : memref<256x8xf32, #tpu.memory_space<vmem>> -> memref<1x8xf32, #tpu.memory_space<vmem>>
      %dma_wait3A_282 = arith.constant 0 : i32
      %dma_wait3A_283 = arith.constant 0 : i32
      %dma_wait3A_284 = tpu.memref_slice %arg5[%dma_wait3A_282, %dma_wait3A_283] : memref<1000000x8xf32, #tpu.memory_space<hbm>> -> memref<1x8xf32, #tpu.memory_space<hbm>>
      tpu.wait_dma2 semaphore(%arg11 : memref<!tpu.dma_semaphore, #tpu.memory_space<semaphore_mem>>) src(%dma_wait3A_284 : memref<1x8xf32, #tpu.memory_space<hbm>>) dst(%dma_wait3A_281 : memref<1x8xf32, #tpu.memory_space<vmem>>)
    }
    %scan3A_218 = arith.constant 128 : i32
    %add3A_219 = arith.constant 256 : i32
    %add3A_220 = arith.addi %mul3A_2, %add3A_219 : i32
    %dma_start3A_221 = arith.constant 0 : i32
    %dma_start3A_222 = arith.constant 0 : i32
    %dma_start3A_223 = tpu.memref_slice %arg10[%dma_start3A_221, %dma_start3A_222] : memref<256x8xf32, #tpu.memory_space<vmem>> -> memref<128x8xf32, #tpu.memory_space<vmem>>
    %dma_start3A_224 = arith.constant 0 : i32
    %dma_start3A_225 = tpu.memref_slice %arg7[%add3A_220, %dma_start3A_224] : memref<16384x8xf32, #tpu.memory_space<hbm>> -> memref<128x8xf32, #tpu.memory_space<hbm>>
    %dma_start3A_226 = arith.constant 0 : i32
    %dma_start3A_227 = tpu.memref_slice %arg7[%add3A_220, %dma_start3A_226] : memref<16384x8xf32, #tpu.memory_space<hbm>> -> memref<128x8xf32, #tpu.memory_space<hbm>>
    %dma_start3A_228 = arith.constant 0 : i32
    %dma_start3A_229 = arith.constant 0 : i32
    %dma_start3A_230 = tpu.memref_slice %arg10[%dma_start3A_228, %dma_start3A_229] : memref<256x8xf32, #tpu.memory_space<vmem>> -> memref<128x8xf32, #tpu.memory_space<vmem>>
    tpu.enqueue_dma source(%dma_start3A_230 : memref<128x8xf32, #tpu.memory_space<vmem>>) target(%dma_start3A_227 : memref<128x8xf32, #tpu.memory_space<hbm>>) target_semaphore(%arg13 : memref<!tpu.dma_semaphore, #tpu.memory_space<semaphore_mem>>)
    %scan3A_231 = arith.constant 0 : i32
    %scan3A_232 = arith.constant 128 : i32
    %scan3A_233 = arith.addi %scan3A_231, %scan3A_232 : i32
    %scan3A_234 = arith.constant 1 : i32
    scf.for %scan3A_272 = %scan3A_231 to %scan3A_233 step %scan3A_234  : i32 {
      %dma_wait3A_273 = arith.constant 0 : i32
      %dma_wait3A_274 = arith.constant 0 : i32
      %dma_wait3A_275 = tpu.memref_slice %arg10[%dma_wait3A_273, %dma_wait3A_274] : memref<256x8xf32, #tpu.memory_space<vmem>> -> memref<1x8xf32, #tpu.memory_space<vmem>>
      %dma_wait3A_276 = arith.constant 0 : i32
      %dma_wait3A_277 = arith.constant 0 : i32
      %dma_wait3A_278 = tpu.memref_slice %arg5[%dma_wait3A_276, %dma_wait3A_277] : memref<1000000x8xf32, #tpu.memory_space<hbm>> -> memref<1x8xf32, #tpu.memory_space<hbm>>
      %dma_wait3A_279 = arith.constant 0 : i32
      %dma_wait3A_280 = arith.constant 0 : i32
      %dma_wait3A_281 = tpu.memref_slice %arg10[%dma_wait3A_279, %dma_wait3A_280] : memref<256x8xf32, #tpu.memory_space<vmem>> -> memref<1x8xf32, #tpu.memory_space<vmem>>
      %dma_wait3A_282 = arith.constant 0 : i32
      %dma_wait3A_283 = arith.constant 0 : i32
      %dma_wait3A_284 = tpu.memref_slice %arg5[%dma_wait3A_282, %dma_wait3A_283] : memref<1000000x8xf32, #tpu.memory_space<hbm>> -> memref<1x8xf32, #tpu.memory_space<hbm>>
      tpu.wait_dma2 semaphore(%arg12 : memref<!tpu.dma_semaphore, #tpu.memory_space<semaphore_mem>>) src(%dma_wait3A_284 : memref<1x8xf32, #tpu.memory_space<hbm>>) dst(%dma_wait3A_281 : memref<1x8xf32, #tpu.memory_space<vmem>>)
    }
    %scan3A_235 = arith.constant 128 : i32
    %add3A_236 = arith.constant 384 : i32
    %add3A_237 = arith.addi %mul3A_2, %add3A_236 : i32
    %dma_start3A_238 = arith.constant 128 : i32
    %dma_start3A_239 = arith.constant 0 : i32
    %dma_start3A_240 = tpu.memref_slice %arg10[%dma_start3A_238, %dma_start3A_239] : memref<256x8xf32, #tpu.memory_space<vmem>> -> memref<128x8xf32, #tpu.memory_space<vmem>>
    %dma_start3A_241 = arith.constant 0 : i32
    %dma_start3A_242 = tpu.memref_slice %arg7[%add3A_237, %dma_start3A_241] : memref<16384x8xf32, #tpu.memory_space<hbm>> -> memref<128x8xf32, #tpu.memory_space<hbm>>
    %dma_start3A_243 = arith.constant 0 : i32
    %dma_start3A_244 = tpu.memref_slice %arg7[%add3A_237, %dma_start3A_243] : memref<16384x8xf32, #tpu.memory_space<hbm>> -> memref<128x8xf32, #tpu.memory_space<hbm>>
    %dma_start3A_245 = arith.constant 128 : i32
    %dma_start3A_246 = arith.constant 0 : i32
    %dma_start3A_247 = tpu.memref_slice %arg10[%dma_start3A_245, %dma_start3A_246] : memref<256x8xf32, #tpu.memory_space<vmem>> -> memref<128x8xf32, #tpu.memory_space<vmem>>
    tpu.enqueue_dma source(%dma_start3A_247 : memref<128x8xf32, #tpu.memory_space<vmem>>) target(%dma_start3A_244 : memref<128x8xf32, #tpu.memory_space<hbm>>) target_semaphore(%arg14 : memref<!tpu.dma_semaphore, #tpu.memory_space<semaphore_mem>>)
    %add3A_248 = arith.constant 256 : i32
    %add3A_249 = arith.addi %mul3A_2, %add3A_248 : i32
    %dma_wait3A_250 = arith.constant 0 : i32
    %dma_wait3A_251 = arith.constant 0 : i32
    %dma_wait3A_252 = tpu.memref_slice %arg10[%dma_wait3A_250, %dma_wait3A_251] : memref<256x8xf32, #tpu.memory_space<vmem>> -> memref<128x8xf32, #tpu.memory_space<vmem>>
    %dma_wait3A_253 = arith.constant 0 : i32
    %dma_wait3A_254 = tpu.memref_slice %arg7[%add3A_249, %dma_wait3A_253] : memref<16384x8xf32, #tpu.memory_space<hbm>> -> memref<128x8xf32, #tpu.memory_space<hbm>>
    %dma_wait3A_255 = arith.constant 0 : i32
    %dma_wait3A_256 = tpu.memref_slice %arg7[%add3A_249, %dma_wait3A_255] : memref<16384x8xf32, #tpu.memory_space<hbm>> -> memref<128x8xf32, #tpu.memory_space<hbm>>
    %dma_wait3A_257 = arith.constant 0 : i32
    %dma_wait3A_258 = arith.constant 0 : i32
    %dma_wait3A_259 = tpu.memref_slice %arg10[%dma_wait3A_257, %dma_wait3A_258] : memref<256x8xf32, #tpu.memory_space<vmem>> -> memref<128x8xf32, #tpu.memory_space<vmem>>
    tpu.wait_dma2 semaphore(%arg13 : memref<!tpu.dma_semaphore, #tpu.memory_space<semaphore_mem>>) src(%dma_wait3A_259 : memref<128x8xf32, #tpu.memory_space<vmem>>) dst(%dma_wait3A_256 : memref<128x8xf32, #tpu.memory_space<hbm>>)
    %add3A_260 = arith.constant 384 : i32
    %add3A_261 = arith.addi %mul3A_2, %add3A_260 : i32
    %dma_wait3A_262 = arith.constant 128 : i32
    %dma_wait3A_263 = arith.constant 0 : i32
    %dma_wait3A_264 = tpu.memref_slice %arg10[%dma_wait3A_262, %dma_wait3A_263] : memref<256x8xf32, #tpu.memory_space<vmem>> -> memref<128x8xf32, #tpu.memory_space<vmem>>
    %dma_wait3A_265 = arith.constant 0 : i32
    %dma_wait3A_266 = tpu.memref_slice %arg7[%add3A_261, %dma_wait3A_265] : memref<16384x8xf32, #tpu.memory_space<hbm>> -> memref<128x8xf32, #tpu.memory_space<hbm>>
    %dma_wait3A_267 = arith.constant 0 : i32
    %dma_wait3A_268 = tpu.memref_slice %arg7[%add3A_261, %dma_wait3A_267] : memref<16384x8xf32, #tpu.memory_space<hbm>> -> memref<128x8xf32, #tpu.memory_space<hbm>>
    %dma_wait3A_269 = arith.constant 128 : i32
    %dma_wait3A_270 = arith.constant 0 : i32
    %dma_wait3A_271 = tpu.memref_slice %arg10[%dma_wait3A_269, %dma_wait3A_270] : memref<256x8xf32, #tpu.memory_space<vmem>> -> memref<128x8xf32, #tpu.memory_space<vmem>>
    tpu.wait_dma2 semaphore(%arg14 : memref<!tpu.dma_semaphore, #tpu.memory_space<semaphore_mem>>) src(%dma_wait3A_271 : memref<128x8xf32, #tpu.memory_space<vmem>>) dst(%dma_wait3A_268 : memref<128x8xf32, #tpu.memory_space<hbm>>)
    return
  }
}

#map = affine_map<(d0, d1) -> (0)>
#map1 = affine_map<(d0, d1) -> (0, 0)>
module attributes {stable_mosaic.version = 14 : i64} {
  func.func @_sc_body(%arg0: i32, %arg1: i32, %arg2: memref<16384xi32, #tpu.memory_space<hbm>>, %arg3: memref<16384xi32, #tpu.memory_space<hbm>>, %arg4: memref<1000000x32xf32, #tpu.memory_space<hbm>>, %arg5: memref<1000000x32xf32, #tpu.memory_space<hbm>>, %arg6: memref<16384x32xf32, #tpu.memory_space<hbm>>, %arg7: memref<16384x32xf32, #tpu.memory_space<hbm>>, %arg8: memref<528xi32, #tpu.memory_space<vmem>>, %arg9: memref<528xi32, #tpu.memory_space<vmem>>, %arg10: memref<256x32xf32, #tpu.memory_space<vmem>>, %arg11: memref<!tpu.dma_semaphore, #tpu.memory_space<semaphore_mem>>, %arg12: memref<!tpu.dma_semaphore, #tpu.memory_space<semaphore_mem>>, %arg13: memref<!tpu.dma_semaphore, #tpu.memory_space<semaphore_mem>>, %arg14: memref<!tpu.dma_semaphore, #tpu.memory_space<semaphore_mem>>) attributes {dimension_semantics = [#tpu.dimension_semantics<core_parallel>, #tpu.dimension_semantics<subcore_parallel>], iteration_bounds = array<i64: 2, 16>, scalar_prefetch = 0 : i64, scratch_operands = 7 : i64, tpu.core_type = #tpu.core_type<sc_vector_subcore>, window_params = [{transform_indices = #map}, {transform_indices = #map}, {transform_indices = #map1}, {transform_indices = #map1}, {transform_indices = #map1}, {transform_indices = #map1}]} {
    %mul3A = arith.constant 2 : i32
    %mul3A_0 = arith.muli %arg1, %mul3A : i32
    %add3A = arith.addi %mul3A_0, %arg0 : i32
    %mul3A_1 = arith.constant 512 : i32
    %mul3A_2 = arith.muli %add3A, %mul3A_1 : i32
    "tpu.region"() ({
      %run_scoped3A = tpu.sem_alloc : memref<!tpu.dma_semaphore, #tpu.memory_space<semaphore_mem>>
      %dma_start3A_272 = arith.constant 0 : i32
      %dma_start3A_273 = tpu.memref_slice %arg8[%dma_start3A_272] : memref<528xi32, #tpu.memory_space<vmem>> -> memref<512xi32, #tpu.memory_space<vmem>>
      %dma_start3A_274 = tpu.memref_slice %arg2[%mul3A_2] : memref<16384xi32, #tpu.memory_space<hbm>> -> memref<512xi32, #tpu.memory_space<hbm>>
      %dma_start3A_275 = arith.constant 0 : i32
      %dma_start3A_276 = tpu.memref_slice %arg8[%dma_start3A_275] : memref<528xi32, #tpu.memory_space<vmem>> -> memref<512xi32, #tpu.memory_space<vmem>>
      %dma_start3A_277 = tpu.memref_slice %arg2[%mul3A_2] : memref<16384xi32, #tpu.memory_space<hbm>> -> memref<512xi32, #tpu.memory_space<hbm>>
      tpu.enqueue_dma source(%dma_start3A_277 : memref<512xi32, #tpu.memory_space<hbm>>) target(%dma_start3A_276 : memref<512xi32, #tpu.memory_space<vmem>>) target_semaphore(%run_scoped3A : memref<!tpu.dma_semaphore, #tpu.memory_space<semaphore_mem>>)
      %dma_wait3A_278 = arith.constant 0 : i32
      %dma_wait3A_279 = tpu.memref_slice %arg8[%dma_wait3A_278] : memref<528xi32, #tpu.memory_space<vmem>> -> memref<512xi32, #tpu.memory_space<vmem>>
      %dma_wait3A_280 = tpu.memref_slice %arg2[%mul3A_2] : memref<16384xi32, #tpu.memory_space<hbm>> -> memref<512xi32, #tpu.memory_space<hbm>>
      %dma_wait3A_281 = arith.constant 0 : i32
      %dma_wait3A_282 = tpu.memref_slice %arg8[%dma_wait3A_281] : memref<528xi32, #tpu.memory_space<vmem>> -> memref<512xi32, #tpu.memory_space<vmem>>
      %dma_wait3A_283 = tpu.memref_slice %arg2[%mul3A_2] : memref<16384xi32, #tpu.memory_space<hbm>> -> memref<512xi32, #tpu.memory_space<hbm>>
      tpu.wait_dma2 semaphore(%run_scoped3A : memref<!tpu.dma_semaphore, #tpu.memory_space<semaphore_mem>>) src(%dma_wait3A_283 : memref<512xi32, #tpu.memory_space<hbm>>) dst(%dma_wait3A_282 : memref<512xi32, #tpu.memory_space<vmem>>)
      tpu.yield
    }) : () -> ()
    "tpu.region"() ({
      %run_scoped3A = tpu.sem_alloc : memref<!tpu.dma_semaphore, #tpu.memory_space<semaphore_mem>>
      %dma_start3A_272 = arith.constant 0 : i32
      %dma_start3A_273 = tpu.memref_slice %arg9[%dma_start3A_272] : memref<528xi32, #tpu.memory_space<vmem>> -> memref<512xi32, #tpu.memory_space<vmem>>
      %dma_start3A_274 = tpu.memref_slice %arg3[%mul3A_2] : memref<16384xi32, #tpu.memory_space<hbm>> -> memref<512xi32, #tpu.memory_space<hbm>>
      %dma_start3A_275 = arith.constant 0 : i32
      %dma_start3A_276 = tpu.memref_slice %arg9[%dma_start3A_275] : memref<528xi32, #tpu.memory_space<vmem>> -> memref<512xi32, #tpu.memory_space<vmem>>
      %dma_start3A_277 = tpu.memref_slice %arg3[%mul3A_2] : memref<16384xi32, #tpu.memory_space<hbm>> -> memref<512xi32, #tpu.memory_space<hbm>>
      tpu.enqueue_dma source(%dma_start3A_277 : memref<512xi32, #tpu.memory_space<hbm>>) target(%dma_start3A_276 : memref<512xi32, #tpu.memory_space<vmem>>) target_semaphore(%run_scoped3A : memref<!tpu.dma_semaphore, #tpu.memory_space<semaphore_mem>>)
      %dma_wait3A_278 = arith.constant 0 : i32
      %dma_wait3A_279 = tpu.memref_slice %arg9[%dma_wait3A_278] : memref<528xi32, #tpu.memory_space<vmem>> -> memref<512xi32, #tpu.memory_space<vmem>>
      %dma_wait3A_280 = tpu.memref_slice %arg3[%mul3A_2] : memref<16384xi32, #tpu.memory_space<hbm>> -> memref<512xi32, #tpu.memory_space<hbm>>
      %dma_wait3A_281 = arith.constant 0 : i32
      %dma_wait3A_282 = tpu.memref_slice %arg9[%dma_wait3A_281] : memref<528xi32, #tpu.memory_space<vmem>> -> memref<512xi32, #tpu.memory_space<vmem>>
      %dma_wait3A_283 = tpu.memref_slice %arg3[%mul3A_2] : memref<16384xi32, #tpu.memory_space<hbm>> -> memref<512xi32, #tpu.memory_space<hbm>>
      tpu.wait_dma2 semaphore(%run_scoped3A : memref<!tpu.dma_semaphore, #tpu.memory_space<semaphore_mem>>) src(%dma_wait3A_283 : memref<512xi32, #tpu.memory_space<hbm>>) dst(%dma_wait3A_282 : memref<512xi32, #tpu.memory_space<vmem>>)
      tpu.yield
    }) : () -> ()
    %scan3A = arith.constant 0 : i32
    %scan3A_3 = arith.constant 128 : i32
    %scan3A_4 = arith.addi %scan3A, %scan3A_3 : i32
    %scan3A_5 = arith.constant 1 : i32
    scf.for %scan3A_272 = %scan3A to %scan3A_4 step %scan3A_5  : i32 {
      %add3A_273 = arith.constant 0 : i32
      %add3A_274 = arith.addi %add3A_273, %scan3A_272 : i32
      %get3A = arith.index_cast %add3A_274 : i32 to index
      %get3A_275 = tpu.vector_load %arg8[%get3A] {strides = array<i32>} : memref<528xi32, #tpu.memory_space<vmem>>, vector<16xi32>,
      %get3A_276 = vector.shape_cast %get3A_275 : vector<16xi32> to vector<16xi32>
      %slice3A = vector.extract_strided_slice %get3A_276 {offsets = [0], sizes = [1], strides = [1]} : vector<16xi32> to vector<1xi32>
      %squeeze3A = vector.extract %slice3A[0] : i32 from vector<1xi32>
      %add3A_277 = arith.constant 0 : i32
      %add3A_278 = arith.addi %add3A_277, %scan3A_272 : i32
      %dma_start3A_279 = arith.constant 0 : i32
      %dma_start3A_280 = tpu.memref_slice %arg10[%add3A_278, %dma_start3A_279] : memref<256x32xf32, #tpu.memory_space<vmem>> -> memref<1x32xf32, #tpu.memory_space<vmem>>
      %dma_start3A_281 = arith.constant 0 : i32
      %dma_start3A_282 = tpu.memref_slice %arg4[%squeeze3A, %dma_start3A_281] : memref<1000000x32xf32, #tpu.memory_space<hbm>> -> memref<1x32xf32, #tpu.memory_space<hbm>>
      %dma_start3A_283 = arith.constant 0 : i32
      %dma_start3A_284 = tpu.memref_slice %arg10[%add3A_278, %dma_start3A_283] : memref<256x32xf32, #tpu.memory_space<vmem>> -> memref<1x32xf32, #tpu.memory_space<vmem>>
      %dma_start3A_285 = arith.constant 0 : i32
      %dma_start3A_286 = tpu.memref_slice %arg4[%squeeze3A, %dma_start3A_285] : memref<1000000x32xf32, #tpu.memory_space<hbm>> -> memref<1x32xf32, #tpu.memory_space<hbm>>
      tpu.enqueue_dma source(%dma_start3A_286 : memref<1x32xf32, #tpu.memory_space<hbm>>) target(%dma_start3A_284 : memref<1x32xf32, #tpu.memory_space<vmem>>) target_semaphore(%arg11 : memref<!tpu.dma_semaphore, #tpu.memory_space<semaphore_mem>>)
    }
    %scan3A_6 = arith.constant 128 : i32
    %scan3A_7 = arith.constant 0 : i32
    %scan3A_8 = arith.constant 128 : i32
    %scan3A_9 = arith.addi %scan3A_7, %scan3A_8 : i32
    %scan3A_10 = arith.constant 1 : i32
    scf.for %scan3A_272 = %scan3A_7 to %scan3A_9 step %scan3A_10  : i32 {
      %add3A_273 = arith.constant 128 : i32
      %add3A_274 = arith.addi %add3A_273, %scan3A_272 : i32
      %get3A = arith.index_cast %add3A_274 : i32 to index
      %get3A_275 = tpu.vector_load %arg8[%get3A] {strides = array<i32>} : memref<528xi32, #tpu.memory_space<vmem>>, vector<16xi32>,
      %get3A_276 = vector.shape_cast %get3A_275 : vector<16xi32> to vector<16xi32>
      %slice3A = vector.extract_strided_slice %get3A_276 {offsets = [0], sizes = [1], strides = [1]} : vector<16xi32> to vector<1xi32>
      %squeeze3A = vector.extract %slice3A[0] : i32 from vector<1xi32>
      %add3A_277 = arith.constant 128 : i32
      %add3A_278 = arith.addi %add3A_277, %scan3A_272 : i32
      %dma_start3A_279 = arith.constant 0 : i32
      %dma_start3A_280 = tpu.memref_slice %arg10[%add3A_278, %dma_start3A_279] : memref<256x32xf32, #tpu.memory_space<vmem>> -> memref<1x32xf32, #tpu.memory_space<vmem>>
      %dma_start3A_281 = arith.constant 0 : i32
      %dma_start3A_282 = tpu.memref_slice %arg4[%squeeze3A, %dma_start3A_281] : memref<1000000x32xf32, #tpu.memory_space<hbm>> -> memref<1x32xf32, #tpu.memory_space<hbm>>
      %dma_start3A_283 = arith.constant 0 : i32
      %dma_start3A_284 = tpu.memref_slice %arg10[%add3A_278, %dma_start3A_283] : memref<256x32xf32, #tpu.memory_space<vmem>> -> memref<1x32xf32, #tpu.memory_space<vmem>>
      %dma_start3A_285 = arith.constant 0 : i32
      %dma_start3A_286 = tpu.memref_slice %arg4[%squeeze3A, %dma_start3A_285] : memref<1000000x32xf32, #tpu.memory_space<hbm>> -> memref<1x32xf32, #tpu.memory_space<hbm>>
      tpu.enqueue_dma source(%dma_start3A_286 : memref<1x32xf32, #tpu.memory_space<hbm>>) target(%dma_start3A_284 : memref<1x32xf32, #tpu.memory_space<vmem>>) target_semaphore(%arg12 : memref<!tpu.dma_semaphore, #tpu.memory_space<semaphore_mem>>)
    }
    %scan3A_11 = arith.constant 128 : i32
    %scan3A_12 = arith.constant 0 : i32
    %scan3A_13 = arith.constant 128 : i32
    %scan3A_14 = arith.addi %scan3A_12, %scan3A_13 : i32
    %scan3A_15 = arith.constant 1 : i32
    scf.for %scan3A_272 = %scan3A_12 to %scan3A_14 step %scan3A_15  : i32 {
      %dma_wait3A_273 = arith.constant 0 : i32
      %dma_wait3A_274 = arith.constant 0 : i32
      %dma_wait3A_275 = tpu.memref_slice %arg10[%dma_wait3A_273, %dma_wait3A_274] : memref<256x32xf32, #tpu.memory_space<vmem>> -> memref<1x32xf32, #tpu.memory_space<vmem>>
      %dma_wait3A_276 = arith.constant 0 : i32
      %dma_wait3A_277 = arith.constant 0 : i32
      %dma_wait3A_278 = tpu.memref_slice %arg4[%dma_wait3A_276, %dma_wait3A_277] : memref<1000000x32xf32, #tpu.memory_space<hbm>> -> memref<1x32xf32, #tpu.memory_space<hbm>>
      %dma_wait3A_279 = arith.constant 0 : i32
      %dma_wait3A_280 = arith.constant 0 : i32
      %dma_wait3A_281 = tpu.memref_slice %arg10[%dma_wait3A_279, %dma_wait3A_280] : memref<256x32xf32, #tpu.memory_space<vmem>> -> memref<1x32xf32, #tpu.memory_space<vmem>>
      %dma_wait3A_282 = arith.constant 0 : i32
      %dma_wait3A_283 = arith.constant 0 : i32
      %dma_wait3A_284 = tpu.memref_slice %arg4[%dma_wait3A_282, %dma_wait3A_283] : memref<1000000x32xf32, #tpu.memory_space<hbm>> -> memref<1x32xf32, #tpu.memory_space<hbm>>
      tpu.wait_dma2 semaphore(%arg11 : memref<!tpu.dma_semaphore, #tpu.memory_space<semaphore_mem>>) src(%dma_wait3A_284 : memref<1x32xf32, #tpu.memory_space<hbm>>) dst(%dma_wait3A_281 : memref<1x32xf32, #tpu.memory_space<vmem>>)
    }
    %scan3A_16 = arith.constant 128 : i32
    %add3A_17 = arith.constant 0 : i32
    %add3A_18 = arith.addi %mul3A_2, %add3A_17 : i32
    %dma_start3A = arith.constant 0 : i32
    %dma_start3A_19 = arith.constant 0 : i32
    %dma_start3A_20 = tpu.memref_slice %arg10[%dma_start3A, %dma_start3A_19] : memref<256x32xf32, #tpu.memory_space<vmem>> -> memref<128x32xf32, #tpu.memory_space<vmem>>
    %dma_start3A_21 = arith.constant 0 : i32
    %dma_start3A_22 = tpu.memref_slice %arg6[%add3A_18, %dma_start3A_21] : memref<16384x32xf32, #tpu.memory_space<hbm>> -> memref<128x32xf32, #tpu.memory_space<hbm>>
    %dma_start3A_23 = arith.constant 0 : i32
    %dma_start3A_24 = tpu.memref_slice %arg6[%add3A_18, %dma_start3A_23] : memref<16384x32xf32, #tpu.memory_space<hbm>> -> memref<128x32xf32, #tpu.memory_space<hbm>>
    %dma_start3A_25 = arith.constant 0 : i32
    %dma_start3A_26 = arith.constant 0 : i32
    %dma_start3A_27 = tpu.memref_slice %arg10[%dma_start3A_25, %dma_start3A_26] : memref<256x32xf32, #tpu.memory_space<vmem>> -> memref<128x32xf32, #tpu.memory_space<vmem>>
    tpu.enqueue_dma source(%dma_start3A_27 : memref<128x32xf32, #tpu.memory_space<vmem>>) target(%dma_start3A_24 : memref<128x32xf32, #tpu.memory_space<hbm>>) target_semaphore(%arg13 : memref<!tpu.dma_semaphore, #tpu.memory_space<semaphore_mem>>)
    %add3A_28 = arith.constant 0 : i32
    %add3A_29 = arith.addi %mul3A_2, %add3A_28 : i32
    %dma_wait3A = arith.constant 0 : i32
    %dma_wait3A_30 = arith.constant 0 : i32
    %dma_wait3A_31 = tpu.memref_slice %arg10[%dma_wait3A, %dma_wait3A_30] : memref<256x32xf32, #tpu.memory_space<vmem>> -> memref<128x32xf32, #tpu.memory_space<vmem>>
    %dma_wait3A_32 = arith.constant 0 : i32
    %dma_wait3A_33 = tpu.memref_slice %arg6[%add3A_29, %dma_wait3A_32] : memref<16384x32xf32, #tpu.memory_space<hbm>> -> memref<128x32xf32, #tpu.memory_space<hbm>>
    %dma_wait3A_34 = arith.constant 0 : i32
    %dma_wait3A_35 = tpu.memref_slice %arg6[%add3A_29, %dma_wait3A_34] : memref<16384x32xf32, #tpu.memory_space<hbm>> -> memref<128x32xf32, #tpu.memory_space<hbm>>
    %dma_wait3A_36 = arith.constant 0 : i32
    %dma_wait3A_37 = arith.constant 0 : i32
    %dma_wait3A_38 = tpu.memref_slice %arg10[%dma_wait3A_36, %dma_wait3A_37] : memref<256x32xf32, #tpu.memory_space<vmem>> -> memref<128x32xf32, #tpu.memory_space<vmem>>
    tpu.wait_dma2 semaphore(%arg13 : memref<!tpu.dma_semaphore, #tpu.memory_space<semaphore_mem>>) src(%dma_wait3A_38 : memref<128x32xf32, #tpu.memory_space<vmem>>) dst(%dma_wait3A_35 : memref<128x32xf32, #tpu.memory_space<hbm>>)
    %scan3A_39 = arith.constant 0 : i32
    %scan3A_40 = arith.constant 128 : i32
    %scan3A_41 = arith.addi %scan3A_39, %scan3A_40 : i32
    %scan3A_42 = arith.constant 1 : i32
    scf.for %scan3A_272 = %scan3A_39 to %scan3A_41 step %scan3A_42  : i32 {
      %add3A_273 = arith.constant 256 : i32
      %add3A_274 = arith.addi %add3A_273, %scan3A_272 : i32
      %get3A = arith.index_cast %add3A_274 : i32 to index
      %get3A_275 = tpu.vector_load %arg8[%get3A] {strides = array<i32>} : memref<528xi32, #tpu.memory_space<vmem>>, vector<16xi32>,
      %get3A_276 = vector.shape_cast %get3A_275 : vector<16xi32> to vector<16xi32>
      %slice3A = vector.extract_strided_slice %get3A_276 {offsets = [0], sizes = [1], strides = [1]} : vector<16xi32> to vector<1xi32>
      %squeeze3A = vector.extract %slice3A[0] : i32 from vector<1xi32>
      %add3A_277 = arith.constant 0 : i32
      %add3A_278 = arith.addi %add3A_277, %scan3A_272 : i32
      %dma_start3A_279 = arith.constant 0 : i32
      %dma_start3A_280 = tpu.memref_slice %arg10[%add3A_278, %dma_start3A_279] : memref<256x32xf32, #tpu.memory_space<vmem>> -> memref<1x32xf32, #tpu.memory_space<vmem>>
      %dma_start3A_281 = arith.constant 0 : i32
      %dma_start3A_282 = tpu.memref_slice %arg4[%squeeze3A, %dma_start3A_281] : memref<1000000x32xf32, #tpu.memory_space<hbm>> -> memref<1x32xf32, #tpu.memory_space<hbm>>
      %dma_start3A_283 = arith.constant 0 : i32
      %dma_start3A_284 = tpu.memref_slice %arg10[%add3A_278, %dma_start3A_283] : memref<256x32xf32, #tpu.memory_space<vmem>> -> memref<1x32xf32, #tpu.memory_space<vmem>>
      %dma_start3A_285 = arith.constant 0 : i32
      %dma_start3A_286 = tpu.memref_slice %arg4[%squeeze3A, %dma_start3A_285] : memref<1000000x32xf32, #tpu.memory_space<hbm>> -> memref<1x32xf32, #tpu.memory_space<hbm>>
      tpu.enqueue_dma source(%dma_start3A_286 : memref<1x32xf32, #tpu.memory_space<hbm>>) target(%dma_start3A_284 : memref<1x32xf32, #tpu.memory_space<vmem>>) target_semaphore(%arg11 : memref<!tpu.dma_semaphore, #tpu.memory_space<semaphore_mem>>)
    }
    %scan3A_43 = arith.constant 128 : i32
    %scan3A_44 = arith.constant 0 : i32
    %scan3A_45 = arith.constant 128 : i32
    %scan3A_46 = arith.addi %scan3A_44, %scan3A_45 : i32
    %scan3A_47 = arith.constant 1 : i32
    scf.for %scan3A_272 = %scan3A_44 to %scan3A_46 step %scan3A_47  : i32 {
      %dma_wait3A_273 = arith.constant 0 : i32
      %dma_wait3A_274 = arith.constant 0 : i32
      %dma_wait3A_275 = tpu.memref_slice %arg10[%dma_wait3A_273, %dma_wait3A_274] : memref<256x32xf32, #tpu.memory_space<vmem>> -> memref<1x32xf32, #tpu.memory_space<vmem>>
      %dma_wait3A_276 = arith.constant 0 : i32
      %dma_wait3A_277 = arith.constant 0 : i32
      %dma_wait3A_278 = tpu.memref_slice %arg4[%dma_wait3A_276, %dma_wait3A_277] : memref<1000000x32xf32, #tpu.memory_space<hbm>> -> memref<1x32xf32, #tpu.memory_space<hbm>>
      %dma_wait3A_279 = arith.constant 0 : i32
      %dma_wait3A_280 = arith.constant 0 : i32
      %dma_wait3A_281 = tpu.memref_slice %arg10[%dma_wait3A_279, %dma_wait3A_280] : memref<256x32xf32, #tpu.memory_space<vmem>> -> memref<1x32xf32, #tpu.memory_space<vmem>>
      %dma_wait3A_282 = arith.constant 0 : i32
      %dma_wait3A_283 = arith.constant 0 : i32
      %dma_wait3A_284 = tpu.memref_slice %arg4[%dma_wait3A_282, %dma_wait3A_283] : memref<1000000x32xf32, #tpu.memory_space<hbm>> -> memref<1x32xf32, #tpu.memory_space<hbm>>
      tpu.wait_dma2 semaphore(%arg12 : memref<!tpu.dma_semaphore, #tpu.memory_space<semaphore_mem>>) src(%dma_wait3A_284 : memref<1x32xf32, #tpu.memory_space<hbm>>) dst(%dma_wait3A_281 : memref<1x32xf32, #tpu.memory_space<vmem>>)
    }
    %scan3A_48 = arith.constant 128 : i32
    %add3A_49 = arith.constant 128 : i32
    %add3A_50 = arith.addi %mul3A_2, %add3A_49 : i32
    %dma_start3A_51 = arith.constant 128 : i32
    %dma_start3A_52 = arith.constant 0 : i32
    %dma_start3A_53 = tpu.memref_slice %arg10[%dma_start3A_51, %dma_start3A_52] : memref<256x32xf32, #tpu.memory_space<vmem>> -> memref<128x32xf32, #tpu.memory_space<vmem>>
    %dma_start3A_54 = arith.constant 0 : i32
    %dma_start3A_55 = tpu.memref_slice %arg6[%add3A_50, %dma_start3A_54] : memref<16384x32xf32, #tpu.memory_space<hbm>> -> memref<128x32xf32, #tpu.memory_space<hbm>>
    %dma_start3A_56 = arith.constant 0 : i32
    %dma_start3A_57 = tpu.memref_slice %arg6[%add3A_50, %dma_start3A_56] : memref<16384x32xf32, #tpu.memory_space<hbm>> -> memref<128x32xf32, #tpu.memory_space<hbm>>
    %dma_start3A_58 = arith.constant 128 : i32
    %dma_start3A_59 = arith.constant 0 : i32
    %dma_start3A_60 = tpu.memref_slice %arg10[%dma_start3A_58, %dma_start3A_59] : memref<256x32xf32, #tpu.memory_space<vmem>> -> memref<128x32xf32, #tpu.memory_space<vmem>>
    tpu.enqueue_dma source(%dma_start3A_60 : memref<128x32xf32, #tpu.memory_space<vmem>>) target(%dma_start3A_57 : memref<128x32xf32, #tpu.memory_space<hbm>>) target_semaphore(%arg14 : memref<!tpu.dma_semaphore, #tpu.memory_space<semaphore_mem>>)
    %add3A_61 = arith.constant 128 : i32
    %add3A_62 = arith.addi %mul3A_2, %add3A_61 : i32
    %dma_wait3A_63 = arith.constant 128 : i32
    %dma_wait3A_64 = arith.constant 0 : i32
    %dma_wait3A_65 = tpu.memref_slice %arg10[%dma_wait3A_63, %dma_wait3A_64] : memref<256x32xf32, #tpu.memory_space<vmem>> -> memref<128x32xf32, #tpu.memory_space<vmem>>
    %dma_wait3A_66 = arith.constant 0 : i32
    %dma_wait3A_67 = tpu.memref_slice %arg6[%add3A_62, %dma_wait3A_66] : memref<16384x32xf32, #tpu.memory_space<hbm>> -> memref<128x32xf32, #tpu.memory_space<hbm>>
    %dma_wait3A_68 = arith.constant 0 : i32
    %dma_wait3A_69 = tpu.memref_slice %arg6[%add3A_62, %dma_wait3A_68] : memref<16384x32xf32, #tpu.memory_space<hbm>> -> memref<128x32xf32, #tpu.memory_space<hbm>>
    %dma_wait3A_70 = arith.constant 128 : i32
    %dma_wait3A_71 = arith.constant 0 : i32
    %dma_wait3A_72 = tpu.memref_slice %arg10[%dma_wait3A_70, %dma_wait3A_71] : memref<256x32xf32, #tpu.memory_space<vmem>> -> memref<128x32xf32, #tpu.memory_space<vmem>>
    tpu.wait_dma2 semaphore(%arg14 : memref<!tpu.dma_semaphore, #tpu.memory_space<semaphore_mem>>) src(%dma_wait3A_72 : memref<128x32xf32, #tpu.memory_space<vmem>>) dst(%dma_wait3A_69 : memref<128x32xf32, #tpu.memory_space<hbm>>)
    %scan3A_73 = arith.constant 0 : i32
    %scan3A_74 = arith.constant 128 : i32
    %scan3A_75 = arith.addi %scan3A_73, %scan3A_74 : i32
    %scan3A_76 = arith.constant 1 : i32
    scf.for %scan3A_272 = %scan3A_73 to %scan3A_75 step %scan3A_76  : i32 {
      %add3A_273 = arith.constant 384 : i32
      %add3A_274 = arith.addi %add3A_273, %scan3A_272 : i32
      %get3A = arith.index_cast %add3A_274 : i32 to index
      %get3A_275 = tpu.vector_load %arg8[%get3A] {strides = array<i32>} : memref<528xi32, #tpu.memory_space<vmem>>, vector<16xi32>,
      %get3A_276 = vector.shape_cast %get3A_275 : vector<16xi32> to vector<16xi32>
      %slice3A = vector.extract_strided_slice %get3A_276 {offsets = [0], sizes = [1], strides = [1]} : vector<16xi32> to vector<1xi32>
      %squeeze3A = vector.extract %slice3A[0] : i32 from vector<1xi32>
      %add3A_277 = arith.constant 128 : i32
      %add3A_278 = arith.addi %add3A_277, %scan3A_272 : i32
      %dma_start3A_279 = arith.constant 0 : i32
      %dma_start3A_280 = tpu.memref_slice %arg10[%add3A_278, %dma_start3A_279] : memref<256x32xf32, #tpu.memory_space<vmem>> -> memref<1x32xf32, #tpu.memory_space<vmem>>
      %dma_start3A_281 = arith.constant 0 : i32
      %dma_start3A_282 = tpu.memref_slice %arg4[%squeeze3A, %dma_start3A_281] : memref<1000000x32xf32, #tpu.memory_space<hbm>> -> memref<1x32xf32, #tpu.memory_space<hbm>>
      %dma_start3A_283 = arith.constant 0 : i32
      %dma_start3A_284 = tpu.memref_slice %arg10[%add3A_278, %dma_start3A_283] : memref<256x32xf32, #tpu.memory_space<vmem>> -> memref<1x32xf32, #tpu.memory_space<vmem>>
      %dma_start3A_285 = arith.constant 0 : i32
      %dma_start3A_286 = tpu.memref_slice %arg4[%squeeze3A, %dma_start3A_285] : memref<1000000x32xf32, #tpu.memory_space<hbm>> -> memref<1x32xf32, #tpu.memory_space<hbm>>
      tpu.enqueue_dma source(%dma_start3A_286 : memref<1x32xf32, #tpu.memory_space<hbm>>) target(%dma_start3A_284 : memref<1x32xf32, #tpu.memory_space<vmem>>) target_semaphore(%arg12 : memref<!tpu.dma_semaphore, #tpu.memory_space<semaphore_mem>>)
    }
    %scan3A_77 = arith.constant 128 : i32
    %scan3A_78 = arith.constant 0 : i32
    %scan3A_79 = arith.constant 128 : i32
    %scan3A_80 = arith.addi %scan3A_78, %scan3A_79 : i32
    %scan3A_81 = arith.constant 1 : i32
    scf.for %scan3A_272 = %scan3A_78 to %scan3A_80 step %scan3A_81  : i32 {
      %dma_wait3A_273 = arith.constant 0 : i32
      %dma_wait3A_274 = arith.constant 0 : i32
      %dma_wait3A_275 = tpu.memref_slice %arg10[%dma_wait3A_273, %dma_wait3A_274] : memref<256x32xf32, #tpu.memory_space<vmem>> -> memref<1x32xf32, #tpu.memory_space<vmem>>
      %dma_wait3A_276 = arith.constant 0 : i32
      %dma_wait3A_277 = arith.constant 0 : i32
      %dma_wait3A_278 = tpu.memref_slice %arg4[%dma_wait3A_276, %dma_wait3A_277] : memref<1000000x32xf32, #tpu.memory_space<hbm>> -> memref<1x32xf32, #tpu.memory_space<hbm>>
      %dma_wait3A_279 = arith.constant 0 : i32
      %dma_wait3A_280 = arith.constant 0 : i32
      %dma_wait3A_281 = tpu.memref_slice %arg10[%dma_wait3A_279, %dma_wait3A_280] : memref<256x32xf32, #tpu.memory_space<vmem>> -> memref<1x32xf32, #tpu.memory_space<vmem>>
      %dma_wait3A_282 = arith.constant 0 : i32
      %dma_wait3A_283 = arith.constant 0 : i32
      %dma_wait3A_284 = tpu.memref_slice %arg4[%dma_wait3A_282, %dma_wait3A_283] : memref<1000000x32xf32, #tpu.memory_space<hbm>> -> memref<1x32xf32, #tpu.memory_space<hbm>>
      tpu.wait_dma2 semaphore(%arg11 : memref<!tpu.dma_semaphore, #tpu.memory_space<semaphore_mem>>) src(%dma_wait3A_284 : memref<1x32xf32, #tpu.memory_space<hbm>>) dst(%dma_wait3A_281 : memref<1x32xf32, #tpu.memory_space<vmem>>)
    }
    %scan3A_82 = arith.constant 128 : i32
    %add3A_83 = arith.constant 256 : i32
    %add3A_84 = arith.addi %mul3A_2, %add3A_83 : i32
    %dma_start3A_85 = arith.constant 0 : i32
    %dma_start3A_86 = arith.constant 0 : i32
    %dma_start3A_87 = tpu.memref_slice %arg10[%dma_start3A_85, %dma_start3A_86] : memref<256x32xf32, #tpu.memory_space<vmem>> -> memref<128x32xf32, #tpu.memory_space<vmem>>
    %dma_start3A_88 = arith.constant 0 : i32
    %dma_start3A_89 = tpu.memref_slice %arg6[%add3A_84, %dma_start3A_88] : memref<16384x32xf32, #tpu.memory_space<hbm>> -> memref<128x32xf32, #tpu.memory_space<hbm>>
    %dma_start3A_90 = arith.constant 0 : i32
    %dma_start3A_91 = tpu.memref_slice %arg6[%add3A_84, %dma_start3A_90] : memref<16384x32xf32, #tpu.memory_space<hbm>> -> memref<128x32xf32, #tpu.memory_space<hbm>>
    %dma_start3A_92 = arith.constant 0 : i32
    %dma_start3A_93 = arith.constant 0 : i32
    %dma_start3A_94 = tpu.memref_slice %arg10[%dma_start3A_92, %dma_start3A_93] : memref<256x32xf32, #tpu.memory_space<vmem>> -> memref<128x32xf32, #tpu.memory_space<vmem>>
    tpu.enqueue_dma source(%dma_start3A_94 : memref<128x32xf32, #tpu.memory_space<vmem>>) target(%dma_start3A_91 : memref<128x32xf32, #tpu.memory_space<hbm>>) target_semaphore(%arg13 : memref<!tpu.dma_semaphore, #tpu.memory_space<semaphore_mem>>)
    %scan3A_95 = arith.constant 0 : i32
    %scan3A_96 = arith.constant 128 : i32
    %scan3A_97 = arith.addi %scan3A_95, %scan3A_96 : i32
    %scan3A_98 = arith.constant 1 : i32
    scf.for %scan3A_272 = %scan3A_95 to %scan3A_97 step %scan3A_98  : i32 {
      %dma_wait3A_273 = arith.constant 0 : i32
      %dma_wait3A_274 = arith.constant 0 : i32
      %dma_wait3A_275 = tpu.memref_slice %arg10[%dma_wait3A_273, %dma_wait3A_274] : memref<256x32xf32, #tpu.memory_space<vmem>> -> memref<1x32xf32, #tpu.memory_space<vmem>>
      %dma_wait3A_276 = arith.constant 0 : i32
      %dma_wait3A_277 = arith.constant 0 : i32
      %dma_wait3A_278 = tpu.memref_slice %arg4[%dma_wait3A_276, %dma_wait3A_277] : memref<1000000x32xf32, #tpu.memory_space<hbm>> -> memref<1x32xf32, #tpu.memory_space<hbm>>
      %dma_wait3A_279 = arith.constant 0 : i32
      %dma_wait3A_280 = arith.constant 0 : i32
      %dma_wait3A_281 = tpu.memref_slice %arg10[%dma_wait3A_279, %dma_wait3A_280] : memref<256x32xf32, #tpu.memory_space<vmem>> -> memref<1x32xf32, #tpu.memory_space<vmem>>
      %dma_wait3A_282 = arith.constant 0 : i32
      %dma_wait3A_283 = arith.constant 0 : i32
      %dma_wait3A_284 = tpu.memref_slice %arg4[%dma_wait3A_282, %dma_wait3A_283] : memref<1000000x32xf32, #tpu.memory_space<hbm>> -> memref<1x32xf32, #tpu.memory_space<hbm>>
      tpu.wait_dma2 semaphore(%arg12 : memref<!tpu.dma_semaphore, #tpu.memory_space<semaphore_mem>>) src(%dma_wait3A_284 : memref<1x32xf32, #tpu.memory_space<hbm>>) dst(%dma_wait3A_281 : memref<1x32xf32, #tpu.memory_space<vmem>>)
    }
    %scan3A_99 = arith.constant 128 : i32
    %add3A_100 = arith.constant 384 : i32
    %add3A_101 = arith.addi %mul3A_2, %add3A_100 : i32
    %dma_start3A_102 = arith.constant 128 : i32
    %dma_start3A_103 = arith.constant 0 : i32
    %dma_start3A_104 = tpu.memref_slice %arg10[%dma_start3A_102, %dma_start3A_103] : memref<256x32xf32, #tpu.memory_space<vmem>> -> memref<128x32xf32, #tpu.memory_space<vmem>>
    %dma_start3A_105 = arith.constant 0 : i32
    %dma_start3A_106 = tpu.memref_slice %arg6[%add3A_101, %dma_start3A_105] : memref<16384x32xf32, #tpu.memory_space<hbm>> -> memref<128x32xf32, #tpu.memory_space<hbm>>
    %dma_start3A_107 = arith.constant 0 : i32
    %dma_start3A_108 = tpu.memref_slice %arg6[%add3A_101, %dma_start3A_107] : memref<16384x32xf32, #tpu.memory_space<hbm>> -> memref<128x32xf32, #tpu.memory_space<hbm>>
    %dma_start3A_109 = arith.constant 128 : i32
    %dma_start3A_110 = arith.constant 0 : i32
    %dma_start3A_111 = tpu.memref_slice %arg10[%dma_start3A_109, %dma_start3A_110] : memref<256x32xf32, #tpu.memory_space<vmem>> -> memref<128x32xf32, #tpu.memory_space<vmem>>
    tpu.enqueue_dma source(%dma_start3A_111 : memref<128x32xf32, #tpu.memory_space<vmem>>) target(%dma_start3A_108 : memref<128x32xf32, #tpu.memory_space<hbm>>) target_semaphore(%arg14 : memref<!tpu.dma_semaphore, #tpu.memory_space<semaphore_mem>>)
    %add3A_112 = arith.constant 256 : i32
    %add3A_113 = arith.addi %mul3A_2, %add3A_112 : i32
    %dma_wait3A_114 = arith.constant 0 : i32
    %dma_wait3A_115 = arith.constant 0 : i32
    %dma_wait3A_116 = tpu.memref_slice %arg10[%dma_wait3A_114, %dma_wait3A_115] : memref<256x32xf32, #tpu.memory_space<vmem>> -> memref<128x32xf32, #tpu.memory_space<vmem>>
    %dma_wait3A_117 = arith.constant 0 : i32
    %dma_wait3A_118 = tpu.memref_slice %arg6[%add3A_113, %dma_wait3A_117] : memref<16384x32xf32, #tpu.memory_space<hbm>> -> memref<128x32xf32, #tpu.memory_space<hbm>>
    %dma_wait3A_119 = arith.constant 0 : i32
    %dma_wait3A_120 = tpu.memref_slice %arg6[%add3A_113, %dma_wait3A_119] : memref<16384x32xf32, #tpu.memory_space<hbm>> -> memref<128x32xf32, #tpu.memory_space<hbm>>
    %dma_wait3A_121 = arith.constant 0 : i32
    %dma_wait3A_122 = arith.constant 0 : i32
    %dma_wait3A_123 = tpu.memref_slice %arg10[%dma_wait3A_121, %dma_wait3A_122] : memref<256x32xf32, #tpu.memory_space<vmem>> -> memref<128x32xf32, #tpu.memory_space<vmem>>
    tpu.wait_dma2 semaphore(%arg13 : memref<!tpu.dma_semaphore, #tpu.memory_space<semaphore_mem>>) src(%dma_wait3A_123 : memref<128x32xf32, #tpu.memory_space<vmem>>) dst(%dma_wait3A_120 : memref<128x32xf32, #tpu.memory_space<hbm>>)
    %add3A_124 = arith.constant 384 : i32
    %add3A_125 = arith.addi %mul3A_2, %add3A_124 : i32
    %dma_wait3A_126 = arith.constant 128 : i32
    %dma_wait3A_127 = arith.constant 0 : i32
    %dma_wait3A_128 = tpu.memref_slice %arg10[%dma_wait3A_126, %dma_wait3A_127] : memref<256x32xf32, #tpu.memory_space<vmem>> -> memref<128x32xf32, #tpu.memory_space<vmem>>
    %dma_wait3A_129 = arith.constant 0 : i32
    %dma_wait3A_130 = tpu.memref_slice %arg6[%add3A_125, %dma_wait3A_129] : memref<16384x32xf32, #tpu.memory_space<hbm>> -> memref<128x32xf32, #tpu.memory_space<hbm>>
    %dma_wait3A_131 = arith.constant 0 : i32
    %dma_wait3A_132 = tpu.memref_slice %arg6[%add3A_125, %dma_wait3A_131] : memref<16384x32xf32, #tpu.memory_space<hbm>> -> memref<128x32xf32, #tpu.memory_space<hbm>>
    %dma_wait3A_133 = arith.constant 128 : i32
    %dma_wait3A_134 = arith.constant 0 : i32
    %dma_wait3A_135 = tpu.memref_slice %arg10[%dma_wait3A_133, %dma_wait3A_134] : memref<256x32xf32, #tpu.memory_space<vmem>> -> memref<128x32xf32, #tpu.memory_space<vmem>>
    tpu.wait_dma2 semaphore(%arg14 : memref<!tpu.dma_semaphore, #tpu.memory_space<semaphore_mem>>) src(%dma_wait3A_135 : memref<128x32xf32, #tpu.memory_space<vmem>>) dst(%dma_wait3A_132 : memref<128x32xf32, #tpu.memory_space<hbm>>)
    %scan3A_136 = arith.constant 0 : i32
    %scan3A_137 = arith.constant 128 : i32
    %scan3A_138 = arith.addi %scan3A_136, %scan3A_137 : i32
    %scan3A_139 = arith.constant 1 : i32
    scf.for %scan3A_272 = %scan3A_136 to %scan3A_138 step %scan3A_139  : i32 {
      %add3A_273 = arith.constant 0 : i32
      %add3A_274 = arith.addi %add3A_273, %scan3A_272 : i32
      %get3A = arith.index_cast %add3A_274 : i32 to index
      %get3A_275 = tpu.vector_load %arg9[%get3A] {strides = array<i32>} : memref<528xi32, #tpu.memory_space<vmem>>, vector<16xi32>,
      %get3A_276 = vector.shape_cast %get3A_275 : vector<16xi32> to vector<16xi32>
      %slice3A = vector.extract_strided_slice %get3A_276 {offsets = [0], sizes = [1], strides = [1]} : vector<16xi32> to vector<1xi32>
      %squeeze3A = vector.extract %slice3A[0] : i32 from vector<1xi32>
      %add3A_277 = arith.constant 0 : i32
      %add3A_278 = arith.addi %add3A_277, %scan3A_272 : i32
      %dma_start3A_279 = arith.constant 0 : i32
      %dma_start3A_280 = tpu.memref_slice %arg10[%add3A_278, %dma_start3A_279] : memref<256x32xf32, #tpu.memory_space<vmem>> -> memref<1x32xf32, #tpu.memory_space<vmem>>
      %dma_start3A_281 = arith.constant 0 : i32
      %dma_start3A_282 = tpu.memref_slice %arg5[%squeeze3A, %dma_start3A_281] : memref<1000000x32xf32, #tpu.memory_space<hbm>> -> memref<1x32xf32, #tpu.memory_space<hbm>>
      %dma_start3A_283 = arith.constant 0 : i32
      %dma_start3A_284 = tpu.memref_slice %arg10[%add3A_278, %dma_start3A_283] : memref<256x32xf32, #tpu.memory_space<vmem>> -> memref<1x32xf32, #tpu.memory_space<vmem>>
      %dma_start3A_285 = arith.constant 0 : i32
      %dma_start3A_286 = tpu.memref_slice %arg5[%squeeze3A, %dma_start3A_285] : memref<1000000x32xf32, #tpu.memory_space<hbm>> -> memref<1x32xf32, #tpu.memory_space<hbm>>
      tpu.enqueue_dma source(%dma_start3A_286 : memref<1x32xf32, #tpu.memory_space<hbm>>) target(%dma_start3A_284 : memref<1x32xf32, #tpu.memory_space<vmem>>) target_semaphore(%arg11 : memref<!tpu.dma_semaphore, #tpu.memory_space<semaphore_mem>>)
    }
    %scan3A_140 = arith.constant 128 : i32
    %scan3A_141 = arith.constant 0 : i32
    %scan3A_142 = arith.constant 128 : i32
    %scan3A_143 = arith.addi %scan3A_141, %scan3A_142 : i32
    %scan3A_144 = arith.constant 1 : i32
    scf.for %scan3A_272 = %scan3A_141 to %scan3A_143 step %scan3A_144  : i32 {
      %add3A_273 = arith.constant 128 : i32
      %add3A_274 = arith.addi %add3A_273, %scan3A_272 : i32
      %get3A = arith.index_cast %add3A_274 : i32 to index
      %get3A_275 = tpu.vector_load %arg9[%get3A] {strides = array<i32>} : memref<528xi32, #tpu.memory_space<vmem>>, vector<16xi32>,
      %get3A_276 = vector.shape_cast %get3A_275 : vector<16xi32> to vector<16xi32>
      %slice3A = vector.extract_strided_slice %get3A_276 {offsets = [0], sizes = [1], strides = [1]} : vector<16xi32> to vector<1xi32>
      %squeeze3A = vector.extract %slice3A[0] : i32 from vector<1xi32>
      %add3A_277 = arith.constant 128 : i32
      %add3A_278 = arith.addi %add3A_277, %scan3A_272 : i32
      %dma_start3A_279 = arith.constant 0 : i32
      %dma_start3A_280 = tpu.memref_slice %arg10[%add3A_278, %dma_start3A_279] : memref<256x32xf32, #tpu.memory_space<vmem>> -> memref<1x32xf32, #tpu.memory_space<vmem>>
      %dma_start3A_281 = arith.constant 0 : i32
      %dma_start3A_282 = tpu.memref_slice %arg5[%squeeze3A, %dma_start3A_281] : memref<1000000x32xf32, #tpu.memory_space<hbm>> -> memref<1x32xf32, #tpu.memory_space<hbm>>
      %dma_start3A_283 = arith.constant 0 : i32
      %dma_start3A_284 = tpu.memref_slice %arg10[%add3A_278, %dma_start3A_283] : memref<256x32xf32, #tpu.memory_space<vmem>> -> memref<1x32xf32, #tpu.memory_space<vmem>>
      %dma_start3A_285 = arith.constant 0 : i32
      %dma_start3A_286 = tpu.memref_slice %arg5[%squeeze3A, %dma_start3A_285] : memref<1000000x32xf32, #tpu.memory_space<hbm>> -> memref<1x32xf32, #tpu.memory_space<hbm>>
      tpu.enqueue_dma source(%dma_start3A_286 : memref<1x32xf32, #tpu.memory_space<hbm>>) target(%dma_start3A_284 : memref<1x32xf32, #tpu.memory_space<vmem>>) target_semaphore(%arg12 : memref<!tpu.dma_semaphore, #tpu.memory_space<semaphore_mem>>)
    }
    %scan3A_145 = arith.constant 128 : i32
    %scan3A_146 = arith.constant 0 : i32
    %scan3A_147 = arith.constant 128 : i32
    %scan3A_148 = arith.addi %scan3A_146, %scan3A_147 : i32
    %scan3A_149 = arith.constant 1 : i32
    scf.for %scan3A_272 = %scan3A_146 to %scan3A_148 step %scan3A_149  : i32 {
      %dma_wait3A_273 = arith.constant 0 : i32
      %dma_wait3A_274 = arith.constant 0 : i32
      %dma_wait3A_275 = tpu.memref_slice %arg10[%dma_wait3A_273, %dma_wait3A_274] : memref<256x32xf32, #tpu.memory_space<vmem>> -> memref<1x32xf32, #tpu.memory_space<vmem>>
      %dma_wait3A_276 = arith.constant 0 : i32
      %dma_wait3A_277 = arith.constant 0 : i32
      %dma_wait3A_278 = tpu.memref_slice %arg5[%dma_wait3A_276, %dma_wait3A_277] : memref<1000000x32xf32, #tpu.memory_space<hbm>> -> memref<1x32xf32, #tpu.memory_space<hbm>>
      %dma_wait3A_279 = arith.constant 0 : i32
      %dma_wait3A_280 = arith.constant 0 : i32
      %dma_wait3A_281 = tpu.memref_slice %arg10[%dma_wait3A_279, %dma_wait3A_280] : memref<256x32xf32, #tpu.memory_space<vmem>> -> memref<1x32xf32, #tpu.memory_space<vmem>>
      %dma_wait3A_282 = arith.constant 0 : i32
      %dma_wait3A_283 = arith.constant 0 : i32
      %dma_wait3A_284 = tpu.memref_slice %arg5[%dma_wait3A_282, %dma_wait3A_283] : memref<1000000x32xf32, #tpu.memory_space<hbm>> -> memref<1x32xf32, #tpu.memory_space<hbm>>
      tpu.wait_dma2 semaphore(%arg11 : memref<!tpu.dma_semaphore, #tpu.memory_space<semaphore_mem>>) src(%dma_wait3A_284 : memref<1x32xf32, #tpu.memory_space<hbm>>) dst(%dma_wait3A_281 : memref<1x32xf32, #tpu.memory_space<vmem>>)
    }
    %scan3A_150 = arith.constant 128 : i32
    %add3A_151 = arith.constant 0 : i32
    %add3A_152 = arith.addi %mul3A_2, %add3A_151 : i32
    %dma_start3A_153 = arith.constant 0 : i32
    %dma_start3A_154 = arith.constant 0 : i32
    %dma_start3A_155 = tpu.memref_slice %arg10[%dma_start3A_153, %dma_start3A_154] : memref<256x32xf32, #tpu.memory_space<vmem>> -> memref<128x32xf32, #tpu.memory_space<vmem>>
    %dma_start3A_156 = arith.constant 0 : i32
    %dma_start3A_157 = tpu.memref_slice %arg7[%add3A_152, %dma_start3A_156] : memref<16384x32xf32, #tpu.memory_space<hbm>> -> memref<128x32xf32, #tpu.memory_space<hbm>>
    %dma_start3A_158 = arith.constant 0 : i32
    %dma_start3A_159 = tpu.memref_slice %arg7[%add3A_152, %dma_start3A_158] : memref<16384x32xf32, #tpu.memory_space<hbm>> -> memref<128x32xf32, #tpu.memory_space<hbm>>
    %dma_start3A_160 = arith.constant 0 : i32
    %dma_start3A_161 = arith.constant 0 : i32
    %dma_start3A_162 = tpu.memref_slice %arg10[%dma_start3A_160, %dma_start3A_161] : memref<256x32xf32, #tpu.memory_space<vmem>> -> memref<128x32xf32, #tpu.memory_space<vmem>>
    tpu.enqueue_dma source(%dma_start3A_162 : memref<128x32xf32, #tpu.memory_space<vmem>>) target(%dma_start3A_159 : memref<128x32xf32, #tpu.memory_space<hbm>>) target_semaphore(%arg13 : memref<!tpu.dma_semaphore, #tpu.memory_space<semaphore_mem>>)
    %add3A_163 = arith.constant 0 : i32
    %add3A_164 = arith.addi %mul3A_2, %add3A_163 : i32
    %dma_wait3A_165 = arith.constant 0 : i32
    %dma_wait3A_166 = arith.constant 0 : i32
    %dma_wait3A_167 = tpu.memref_slice %arg10[%dma_wait3A_165, %dma_wait3A_166] : memref<256x32xf32, #tpu.memory_space<vmem>> -> memref<128x32xf32, #tpu.memory_space<vmem>>
    %dma_wait3A_168 = arith.constant 0 : i32
    %dma_wait3A_169 = tpu.memref_slice %arg7[%add3A_164, %dma_wait3A_168] : memref<16384x32xf32, #tpu.memory_space<hbm>> -> memref<128x32xf32, #tpu.memory_space<hbm>>
    %dma_wait3A_170 = arith.constant 0 : i32
    %dma_wait3A_171 = tpu.memref_slice %arg7[%add3A_164, %dma_wait3A_170] : memref<16384x32xf32, #tpu.memory_space<hbm>> -> memref<128x32xf32, #tpu.memory_space<hbm>>
    %dma_wait3A_172 = arith.constant 0 : i32
    %dma_wait3A_173 = arith.constant 0 : i32
    %dma_wait3A_174 = tpu.memref_slice %arg10[%dma_wait3A_172, %dma_wait3A_173] : memref<256x32xf32, #tpu.memory_space<vmem>> -> memref<128x32xf32, #tpu.memory_space<vmem>>
    tpu.wait_dma2 semaphore(%arg13 : memref<!tpu.dma_semaphore, #tpu.memory_space<semaphore_mem>>) src(%dma_wait3A_174 : memref<128x32xf32, #tpu.memory_space<vmem>>) dst(%dma_wait3A_171 : memref<128x32xf32, #tpu.memory_space<hbm>>)
    %scan3A_175 = arith.constant 0 : i32
    %scan3A_176 = arith.constant 128 : i32
    %scan3A_177 = arith.addi %scan3A_175, %scan3A_176 : i32
    %scan3A_178 = arith.constant 1 : i32
    scf.for %scan3A_272 = %scan3A_175 to %scan3A_177 step %scan3A_178  : i32 {
      %add3A_273 = arith.constant 256 : i32
      %add3A_274 = arith.addi %add3A_273, %scan3A_272 : i32
      %get3A = arith.index_cast %add3A_274 : i32 to index
      %get3A_275 = tpu.vector_load %arg9[%get3A] {strides = array<i32>} : memref<528xi32, #tpu.memory_space<vmem>>, vector<16xi32>,
      %get3A_276 = vector.shape_cast %get3A_275 : vector<16xi32> to vector<16xi32>
      %slice3A = vector.extract_strided_slice %get3A_276 {offsets = [0], sizes = [1], strides = [1]} : vector<16xi32> to vector<1xi32>
      %squeeze3A = vector.extract %slice3A[0] : i32 from vector<1xi32>
      %add3A_277 = arith.constant 0 : i32
      %add3A_278 = arith.addi %add3A_277, %scan3A_272 : i32
      %dma_start3A_279 = arith.constant 0 : i32
      %dma_start3A_280 = tpu.memref_slice %arg10[%add3A_278, %dma_start3A_279] : memref<256x32xf32, #tpu.memory_space<vmem>> -> memref<1x32xf32, #tpu.memory_space<vmem>>
      %dma_start3A_281 = arith.constant 0 : i32
      %dma_start3A_282 = tpu.memref_slice %arg5[%squeeze3A, %dma_start3A_281] : memref<1000000x32xf32, #tpu.memory_space<hbm>> -> memref<1x32xf32, #tpu.memory_space<hbm>>
      %dma_start3A_283 = arith.constant 0 : i32
      %dma_start3A_284 = tpu.memref_slice %arg10[%add3A_278, %dma_start3A_283] : memref<256x32xf32, #tpu.memory_space<vmem>> -> memref<1x32xf32, #tpu.memory_space<vmem>>
      %dma_start3A_285 = arith.constant 0 : i32
      %dma_start3A_286 = tpu.memref_slice %arg5[%squeeze3A, %dma_start3A_285] : memref<1000000x32xf32, #tpu.memory_space<hbm>> -> memref<1x32xf32, #tpu.memory_space<hbm>>
      tpu.enqueue_dma source(%dma_start3A_286 : memref<1x32xf32, #tpu.memory_space<hbm>>) target(%dma_start3A_284 : memref<1x32xf32, #tpu.memory_space<vmem>>) target_semaphore(%arg11 : memref<!tpu.dma_semaphore, #tpu.memory_space<semaphore_mem>>)
    }
    %scan3A_179 = arith.constant 128 : i32
    %scan3A_180 = arith.constant 0 : i32
    %scan3A_181 = arith.constant 128 : i32
    %scan3A_182 = arith.addi %scan3A_180, %scan3A_181 : i32
    %scan3A_183 = arith.constant 1 : i32
    scf.for %scan3A_272 = %scan3A_180 to %scan3A_182 step %scan3A_183  : i32 {
      %dma_wait3A_273 = arith.constant 0 : i32
      %dma_wait3A_274 = arith.constant 0 : i32
      %dma_wait3A_275 = tpu.memref_slice %arg10[%dma_wait3A_273, %dma_wait3A_274] : memref<256x32xf32, #tpu.memory_space<vmem>> -> memref<1x32xf32, #tpu.memory_space<vmem>>
      %dma_wait3A_276 = arith.constant 0 : i32
      %dma_wait3A_277 = arith.constant 0 : i32
      %dma_wait3A_278 = tpu.memref_slice %arg5[%dma_wait3A_276, %dma_wait3A_277] : memref<1000000x32xf32, #tpu.memory_space<hbm>> -> memref<1x32xf32, #tpu.memory_space<hbm>>
      %dma_wait3A_279 = arith.constant 0 : i32
      %dma_wait3A_280 = arith.constant 0 : i32
      %dma_wait3A_281 = tpu.memref_slice %arg10[%dma_wait3A_279, %dma_wait3A_280] : memref<256x32xf32, #tpu.memory_space<vmem>> -> memref<1x32xf32, #tpu.memory_space<vmem>>
      %dma_wait3A_282 = arith.constant 0 : i32
      %dma_wait3A_283 = arith.constant 0 : i32
      %dma_wait3A_284 = tpu.memref_slice %arg5[%dma_wait3A_282, %dma_wait3A_283] : memref<1000000x32xf32, #tpu.memory_space<hbm>> -> memref<1x32xf32, #tpu.memory_space<hbm>>
      tpu.wait_dma2 semaphore(%arg12 : memref<!tpu.dma_semaphore, #tpu.memory_space<semaphore_mem>>) src(%dma_wait3A_284 : memref<1x32xf32, #tpu.memory_space<hbm>>) dst(%dma_wait3A_281 : memref<1x32xf32, #tpu.memory_space<vmem>>)
    }
    %scan3A_184 = arith.constant 128 : i32
    %add3A_185 = arith.constant 128 : i32
    %add3A_186 = arith.addi %mul3A_2, %add3A_185 : i32
    %dma_start3A_187 = arith.constant 128 : i32
    %dma_start3A_188 = arith.constant 0 : i32
    %dma_start3A_189 = tpu.memref_slice %arg10[%dma_start3A_187, %dma_start3A_188] : memref<256x32xf32, #tpu.memory_space<vmem>> -> memref<128x32xf32, #tpu.memory_space<vmem>>
    %dma_start3A_190 = arith.constant 0 : i32
    %dma_start3A_191 = tpu.memref_slice %arg7[%add3A_186, %dma_start3A_190] : memref<16384x32xf32, #tpu.memory_space<hbm>> -> memref<128x32xf32, #tpu.memory_space<hbm>>
    %dma_start3A_192 = arith.constant 0 : i32
    %dma_start3A_193 = tpu.memref_slice %arg7[%add3A_186, %dma_start3A_192] : memref<16384x32xf32, #tpu.memory_space<hbm>> -> memref<128x32xf32, #tpu.memory_space<hbm>>
    %dma_start3A_194 = arith.constant 128 : i32
    %dma_start3A_195 = arith.constant 0 : i32
    %dma_start3A_196 = tpu.memref_slice %arg10[%dma_start3A_194, %dma_start3A_195] : memref<256x32xf32, #tpu.memory_space<vmem>> -> memref<128x32xf32, #tpu.memory_space<vmem>>
    tpu.enqueue_dma source(%dma_start3A_196 : memref<128x32xf32, #tpu.memory_space<vmem>>) target(%dma_start3A_193 : memref<128x32xf32, #tpu.memory_space<hbm>>) target_semaphore(%arg14 : memref<!tpu.dma_semaphore, #tpu.memory_space<semaphore_mem>>)
    %add3A_197 = arith.constant 128 : i32
    %add3A_198 = arith.addi %mul3A_2, %add3A_197 : i32
    %dma_wait3A_199 = arith.constant 128 : i32
    %dma_wait3A_200 = arith.constant 0 : i32
    %dma_wait3A_201 = tpu.memref_slice %arg10[%dma_wait3A_199, %dma_wait3A_200] : memref<256x32xf32, #tpu.memory_space<vmem>> -> memref<128x32xf32, #tpu.memory_space<vmem>>
    %dma_wait3A_202 = arith.constant 0 : i32
    %dma_wait3A_203 = tpu.memref_slice %arg7[%add3A_198, %dma_wait3A_202] : memref<16384x32xf32, #tpu.memory_space<hbm>> -> memref<128x32xf32, #tpu.memory_space<hbm>>
    %dma_wait3A_204 = arith.constant 0 : i32
    %dma_wait3A_205 = tpu.memref_slice %arg7[%add3A_198, %dma_wait3A_204] : memref<16384x32xf32, #tpu.memory_space<hbm>> -> memref<128x32xf32, #tpu.memory_space<hbm>>
    %dma_wait3A_206 = arith.constant 128 : i32
    %dma_wait3A_207 = arith.constant 0 : i32
    %dma_wait3A_208 = tpu.memref_slice %arg10[%dma_wait3A_206, %dma_wait3A_207] : memref<256x32xf32, #tpu.memory_space<vmem>> -> memref<128x32xf32, #tpu.memory_space<vmem>>
    tpu.wait_dma2 semaphore(%arg14 : memref<!tpu.dma_semaphore, #tpu.memory_space<semaphore_mem>>) src(%dma_wait3A_208 : memref<128x32xf32, #tpu.memory_space<vmem>>) dst(%dma_wait3A_205 : memref<128x32xf32, #tpu.memory_space<hbm>>)
    %scan3A_209 = arith.constant 0 : i32
    %scan3A_210 = arith.constant 128 : i32
    %scan3A_211 = arith.addi %scan3A_209, %scan3A_210 : i32
    %scan3A_212 = arith.constant 1 : i32
    scf.for %scan3A_272 = %scan3A_209 to %scan3A_211 step %scan3A_212  : i32 {
      %add3A_273 = arith.constant 384 : i32
      %add3A_274 = arith.addi %add3A_273, %scan3A_272 : i32
      %get3A = arith.index_cast %add3A_274 : i32 to index
      %get3A_275 = tpu.vector_load %arg9[%get3A] {strides = array<i32>} : memref<528xi32, #tpu.memory_space<vmem>>, vector<16xi32>,
      %get3A_276 = vector.shape_cast %get3A_275 : vector<16xi32> to vector<16xi32>
      %slice3A = vector.extract_strided_slice %get3A_276 {offsets = [0], sizes = [1], strides = [1]} : vector<16xi32> to vector<1xi32>
      %squeeze3A = vector.extract %slice3A[0] : i32 from vector<1xi32>
      %add3A_277 = arith.constant 128 : i32
      %add3A_278 = arith.addi %add3A_277, %scan3A_272 : i32
      %dma_start3A_279 = arith.constant 0 : i32
      %dma_start3A_280 = tpu.memref_slice %arg10[%add3A_278, %dma_start3A_279] : memref<256x32xf32, #tpu.memory_space<vmem>> -> memref<1x32xf32, #tpu.memory_space<vmem>>
      %dma_start3A_281 = arith.constant 0 : i32
      %dma_start3A_282 = tpu.memref_slice %arg5[%squeeze3A, %dma_start3A_281] : memref<1000000x32xf32, #tpu.memory_space<hbm>> -> memref<1x32xf32, #tpu.memory_space<hbm>>
      %dma_start3A_283 = arith.constant 0 : i32
      %dma_start3A_284 = tpu.memref_slice %arg10[%add3A_278, %dma_start3A_283] : memref<256x32xf32, #tpu.memory_space<vmem>> -> memref<1x32xf32, #tpu.memory_space<vmem>>
      %dma_start3A_285 = arith.constant 0 : i32
      %dma_start3A_286 = tpu.memref_slice %arg5[%squeeze3A, %dma_start3A_285] : memref<1000000x32xf32, #tpu.memory_space<hbm>> -> memref<1x32xf32, #tpu.memory_space<hbm>>
      tpu.enqueue_dma source(%dma_start3A_286 : memref<1x32xf32, #tpu.memory_space<hbm>>) target(%dma_start3A_284 : memref<1x32xf32, #tpu.memory_space<vmem>>) target_semaphore(%arg12 : memref<!tpu.dma_semaphore, #tpu.memory_space<semaphore_mem>>)
    }
    %scan3A_213 = arith.constant 128 : i32
    %scan3A_214 = arith.constant 0 : i32
    %scan3A_215 = arith.constant 128 : i32
    %scan3A_216 = arith.addi %scan3A_214, %scan3A_215 : i32
    %scan3A_217 = arith.constant 1 : i32
    scf.for %scan3A_272 = %scan3A_214 to %scan3A_216 step %scan3A_217  : i32 {
      %dma_wait3A_273 = arith.constant 0 : i32
      %dma_wait3A_274 = arith.constant 0 : i32
      %dma_wait3A_275 = tpu.memref_slice %arg10[%dma_wait3A_273, %dma_wait3A_274] : memref<256x32xf32, #tpu.memory_space<vmem>> -> memref<1x32xf32, #tpu.memory_space<vmem>>
      %dma_wait3A_276 = arith.constant 0 : i32
      %dma_wait3A_277 = arith.constant 0 : i32
      %dma_wait3A_278 = tpu.memref_slice %arg5[%dma_wait3A_276, %dma_wait3A_277] : memref<1000000x32xf32, #tpu.memory_space<hbm>> -> memref<1x32xf32, #tpu.memory_space<hbm>>
      %dma_wait3A_279 = arith.constant 0 : i32
      %dma_wait3A_280 = arith.constant 0 : i32
      %dma_wait3A_281 = tpu.memref_slice %arg10[%dma_wait3A_279, %dma_wait3A_280] : memref<256x32xf32, #tpu.memory_space<vmem>> -> memref<1x32xf32, #tpu.memory_space<vmem>>
      %dma_wait3A_282 = arith.constant 0 : i32
      %dma_wait3A_283 = arith.constant 0 : i32
      %dma_wait3A_284 = tpu.memref_slice %arg5[%dma_wait3A_282, %dma_wait3A_283] : memref<1000000x32xf32, #tpu.memory_space<hbm>> -> memref<1x32xf32, #tpu.memory_space<hbm>>
      tpu.wait_dma2 semaphore(%arg11 : memref<!tpu.dma_semaphore, #tpu.memory_space<semaphore_mem>>) src(%dma_wait3A_284 : memref<1x32xf32, #tpu.memory_space<hbm>>) dst(%dma_wait3A_281 : memref<1x32xf32, #tpu.memory_space<vmem>>)
    }
    %scan3A_218 = arith.constant 128 : i32
    %add3A_219 = arith.constant 256 : i32
    %add3A_220 = arith.addi %mul3A_2, %add3A_219 : i32
    %dma_start3A_221 = arith.constant 0 : i32
    %dma_start3A_222 = arith.constant 0 : i32
    %dma_start3A_223 = tpu.memref_slice %arg10[%dma_start3A_221, %dma_start3A_222] : memref<256x32xf32, #tpu.memory_space<vmem>> -> memref<128x32xf32, #tpu.memory_space<vmem>>
    %dma_start3A_224 = arith.constant 0 : i32
    %dma_start3A_225 = tpu.memref_slice %arg7[%add3A_220, %dma_start3A_224] : memref<16384x32xf32, #tpu.memory_space<hbm>> -> memref<128x32xf32, #tpu.memory_space<hbm>>
    %dma_start3A_226 = arith.constant 0 : i32
    %dma_start3A_227 = tpu.memref_slice %arg7[%add3A_220, %dma_start3A_226] : memref<16384x32xf32, #tpu.memory_space<hbm>> -> memref<128x32xf32, #tpu.memory_space<hbm>>
    %dma_start3A_228 = arith.constant 0 : i32
    %dma_start3A_229 = arith.constant 0 : i32
    %dma_start3A_230 = tpu.memref_slice %arg10[%dma_start3A_228, %dma_start3A_229] : memref<256x32xf32, #tpu.memory_space<vmem>> -> memref<128x32xf32, #tpu.memory_space<vmem>>
    tpu.enqueue_dma source(%dma_start3A_230 : memref<128x32xf32, #tpu.memory_space<vmem>>) target(%dma_start3A_227 : memref<128x32xf32, #tpu.memory_space<hbm>>) target_semaphore(%arg13 : memref<!tpu.dma_semaphore, #tpu.memory_space<semaphore_mem>>)
    %scan3A_231 = arith.constant 0 : i32
    %scan3A_232 = arith.constant 128 : i32
    %scan3A_233 = arith.addi %scan3A_231, %scan3A_232 : i32
    %scan3A_234 = arith.constant 1 : i32
    scf.for %scan3A_272 = %scan3A_231 to %scan3A_233 step %scan3A_234  : i32 {
      %dma_wait3A_273 = arith.constant 0 : i32
      %dma_wait3A_274 = arith.constant 0 : i32
      %dma_wait3A_275 = tpu.memref_slice %arg10[%dma_wait3A_273, %dma_wait3A_274] : memref<256x32xf32, #tpu.memory_space<vmem>> -> memref<1x32xf32, #tpu.memory_space<vmem>>
      %dma_wait3A_276 = arith.constant 0 : i32
      %dma_wait3A_277 = arith.constant 0 : i32
      %dma_wait3A_278 = tpu.memref_slice %arg5[%dma_wait3A_276, %dma_wait3A_277] : memref<1000000x32xf32, #tpu.memory_space<hbm>> -> memref<1x32xf32, #tpu.memory_space<hbm>>
      %dma_wait3A_279 = arith.constant 0 : i32
      %dma_wait3A_280 = arith.constant 0 : i32
      %dma_wait3A_281 = tpu.memref_slice %arg10[%dma_wait3A_279, %dma_wait3A_280] : memref<256x32xf32, #tpu.memory_space<vmem>> -> memref<1x32xf32, #tpu.memory_space<vmem>>
      %dma_wait3A_282 = arith.constant 0 : i32
      %dma_wait3A_283 = arith.constant 0 : i32
      %dma_wait3A_284 = tpu.memref_slice %arg5[%dma_wait3A_282, %dma_wait3A_283] : memref<1000000x32xf32, #tpu.memory_space<hbm>> -> memref<1x32xf32, #tpu.memory_space<hbm>>
      tpu.wait_dma2 semaphore(%arg12 : memref<!tpu.dma_semaphore, #tpu.memory_space<semaphore_mem>>) src(%dma_wait3A_284 : memref<1x32xf32, #tpu.memory_space<hbm>>) dst(%dma_wait3A_281 : memref<1x32xf32, #tpu.memory_space<vmem>>)
    }
    %scan3A_235 = arith.constant 128 : i32
    %add3A_236 = arith.constant 384 : i32
    %add3A_237 = arith.addi %mul3A_2, %add3A_236 : i32
    %dma_start3A_238 = arith.constant 128 : i32
    %dma_start3A_239 = arith.constant 0 : i32
    %dma_start3A_240 = tpu.memref_slice %arg10[%dma_start3A_238, %dma_start3A_239] : memref<256x32xf32, #tpu.memory_space<vmem>> -> memref<128x32xf32, #tpu.memory_space<vmem>>
    %dma_start3A_241 = arith.constant 0 : i32
    %dma_start3A_242 = tpu.memref_slice %arg7[%add3A_237, %dma_start3A_241] : memref<16384x32xf32, #tpu.memory_space<hbm>> -> memref<128x32xf32, #tpu.memory_space<hbm>>
    %dma_start3A_243 = arith.constant 0 : i32
    %dma_start3A_244 = tpu.memref_slice %arg7[%add3A_237, %dma_start3A_243] : memref<16384x32xf32, #tpu.memory_space<hbm>> -> memref<128x32xf32, #tpu.memory_space<hbm>>
    %dma_start3A_245 = arith.constant 128 : i32
    %dma_start3A_246 = arith.constant 0 : i32
    %dma_start3A_247 = tpu.memref_slice %arg10[%dma_start3A_245, %dma_start3A_246] : memref<256x32xf32, #tpu.memory_space<vmem>> -> memref<128x32xf32, #tpu.memory_space<vmem>>
    tpu.enqueue_dma source(%dma_start3A_247 : memref<128x32xf32, #tpu.memory_space<vmem>>) target(%dma_start3A_244 : memref<128x32xf32, #tpu.memory_space<hbm>>) target_semaphore(%arg14 : memref<!tpu.dma_semaphore, #tpu.memory_space<semaphore_mem>>)
    %add3A_248 = arith.constant 256 : i32
    %add3A_249 = arith.addi %mul3A_2, %add3A_248 : i32
    %dma_wait3A_250 = arith.constant 0 : i32
    %dma_wait3A_251 = arith.constant 0 : i32
    %dma_wait3A_252 = tpu.memref_slice %arg10[%dma_wait3A_250, %dma_wait3A_251] : memref<256x32xf32, #tpu.memory_space<vmem>> -> memref<128x32xf32, #tpu.memory_space<vmem>>
    %dma_wait3A_253 = arith.constant 0 : i32
    %dma_wait3A_254 = tpu.memref_slice %arg7[%add3A_249, %dma_wait3A_253] : memref<16384x32xf32, #tpu.memory_space<hbm>> -> memref<128x32xf32, #tpu.memory_space<hbm>>
    %dma_wait3A_255 = arith.constant 0 : i32
    %dma_wait3A_256 = tpu.memref_slice %arg7[%add3A_249, %dma_wait3A_255] : memref<16384x32xf32, #tpu.memory_space<hbm>> -> memref<128x32xf32, #tpu.memory_space<hbm>>
    %dma_wait3A_257 = arith.constant 0 : i32
    %dma_wait3A_258 = arith.constant 0 : i32
    %dma_wait3A_259 = tpu.memref_slice %arg10[%dma_wait3A_257, %dma_wait3A_258] : memref<256x32xf32, #tpu.memory_space<vmem>> -> memref<128x32xf32, #tpu.memory_space<vmem>>
    tpu.wait_dma2 semaphore(%arg13 : memref<!tpu.dma_semaphore, #tpu.memory_space<semaphore_mem>>) src(%dma_wait3A_259 : memref<128x32xf32, #tpu.memory_space<vmem>>) dst(%dma_wait3A_256 : memref<128x32xf32, #tpu.memory_space<hbm>>)
    %add3A_260 = arith.constant 384 : i32
    %add3A_261 = arith.addi %mul3A_2, %add3A_260 : i32
    %dma_wait3A_262 = arith.constant 128 : i32
    %dma_wait3A_263 = arith.constant 0 : i32
    %dma_wait3A_264 = tpu.memref_slice %arg10[%dma_wait3A_262, %dma_wait3A_263] : memref<256x32xf32, #tpu.memory_space<vmem>> -> memref<128x32xf32, #tpu.memory_space<vmem>>
    %dma_wait3A_265 = arith.constant 0 : i32
    %dma_wait3A_266 = tpu.memref_slice %arg7[%add3A_261, %dma_wait3A_265] : memref<16384x32xf32, #tpu.memory_space<hbm>> -> memref<128x32xf32, #tpu.memory_space<hbm>>
    %dma_wait3A_267 = arith.constant 0 : i32
    %dma_wait3A_268 = tpu.memref_slice %arg7[%add3A_261, %dma_wait3A_267] : memref<16384x32xf32, #tpu.memory_space<hbm>> -> memref<128x32xf32, #tpu.memory_space<hbm>>
    %dma_wait3A_269 = arith.constant 128 : i32
    %dma_wait3A_270 = arith.constant 0 : i32
    %dma_wait3A_271 = tpu.memref_slice %arg10[%dma_wait3A_269, %dma_wait3A_270] : memref<256x32xf32, #tpu.memory_space<vmem>> -> memref<128x32xf32, #tpu.memory_space<vmem>>
    tpu.wait_dma2 semaphore(%arg14 : memref<!tpu.dma_semaphore, #tpu.memory_space<semaphore_mem>>) src(%dma_wait3A_271 : memref<128x32xf32, #tpu.memory_space<vmem>>) dst(%dma_wait3A_268 : memref<128x32xf32, #tpu.memory_space<hbm>>)
    return
  }
}

module attributes {stable_mosaic.version = 14 : i64} {
  func.func @_mlp_body(%arg0: i32, %arg1: memref<2048x32xf32, #tpu.memory_space<vmem>>, %arg2: memref<2048x32xf32, #tpu.memory_space<vmem>>, %arg3: memref<2048x8xf32, #tpu.memory_space<vmem>>, %arg4: memref<2048x8xf32, #tpu.memory_space<vmem>>, %arg5: memref<32x32xf32, #tpu.memory_space<vmem>>, %arg6: memref<32x32xf32, #tpu.memory_space<vmem>>, %arg7: memref<1x32xf32, #tpu.memory_space<vmem>>, %arg8: memref<32x16xf32, #tpu.memory_space<vmem>>, %arg9: memref<1x16xf32, #tpu.memory_space<vmem>>, %arg10: memref<16x8xf32, #tpu.memory_space<vmem>>, %arg11: memref<1x8xf32, #tpu.memory_space<vmem>>, %arg12: memref<8x1xf32, #tpu.memory_space<vmem>>, %arg13: memref<8x1xf32, #tpu.memory_space<vmem>>, %arg14: memref<1x1xf32, #tpu.memory_space<vmem>>, %arg15: memref<2048xf32, #tpu.memory_space<vmem>>) attributes {dimension_semantics = [#tpu.dimension_semantics<arbitrary>], iteration_bounds = array<i64: 8>, scalar_prefetch = 0 : i64, scratch_operands = 0 : i64, tpu.core_type = #tpu.core_type<tc>, window_params = [{transform_indices = @transform_0, window_bounds = array<i64: 2048, 32>}, {transform_indices = @transform_1, window_bounds = array<i64: 2048, 32>}, {transform_indices = @transform_2, window_bounds = array<i64: 2048, 8>}, {transform_indices = @transform_3, window_bounds = array<i64: 2048, 8>}, {pipeline_mode = #tpu.pipeline_mode<synchronous>, transform_indices = @transform_4, window_bounds = array<i64: 32, 32>}, {pipeline_mode = #tpu.pipeline_mode<synchronous>, transform_indices = @transform_5, window_bounds = array<i64: 32, 32>}, {pipeline_mode = #tpu.pipeline_mode<synchronous>, transform_indices = @transform_6, window_bounds = array<i64: 1, 32>}, {pipeline_mode = #tpu.pipeline_mode<synchronous>, transform_indices = @transform_7, window_bounds = array<i64: 32, 16>}, {pipeline_mode = #tpu.pipeline_mode<synchronous>, transform_indices = @transform_8, window_bounds = array<i64: 1, 16>}, {pipeline_mode = #tpu.pipeline_mode<synchronous>, transform_indices = @transform_9, window_bounds = array<i64: 16, 8>}, {pipeline_mode = #tpu.pipeline_mode<synchronous>, transform_indices = @transform_10, window_bounds = array<i64: 1, 8>}, {pipeline_mode = #tpu.pipeline_mode<synchronous>, transform_indices = @transform_11, window_bounds = array<i64: 8, 1>}, {pipeline_mode = #tpu.pipeline_mode<synchronous>, transform_indices = @transform_12, window_bounds = array<i64: 8, 1>}, {pipeline_mode = #tpu.pipeline_mode<synchronous>, transform_indices = @transform_13, window_bounds = array<i64: 1, 1>}, {transform_indices = @transform_14, window_bounds = array<i64: 2048>}]} {
    %get3A = arith.constant 0 : index
    %get3A_0 = arith.constant 0 : index
    %get3A_1 = vector.load %arg1[%get3A, %get3A_0] : memref<2048x32xf32, #tpu.memory_space<vmem>>, vector<2048x32xf32>
    %get3A_2 = arith.constant 0 : index
    %get3A_3 = arith.constant 0 : index
    %get3A_4 = vector.load %arg5[%get3A_2, %get3A_3] : memref<32x32xf32, #tpu.memory_space<vmem>>, vector<32x32xf32>
    %dot_general3A = arith.constant dense<0.000000e+00> : vector<2048x32xf32>
    %dot_general3A_5 = tpu.matmul %get3A_1, %get3A_4, %dot_general3A {dimension_numbers = #tpu.dot_dimension_numbers<[1], [0], [0], [1], [0, 0, 1, 1], [], []>, transpose_lhs_hint = false} : vector<2048x32xf32>, vector<32x32xf32>, vector<2048x32xf32> -> vector<2048x32xf32>
    %get3A_6 = arith.constant 0 : index
    %get3A_7 = arith.constant 0 : index
    %get3A_8 = vector.load %arg2[%get3A_6, %get3A_7] : memref<2048x32xf32, #tpu.memory_space<vmem>>, vector<2048x32xf32>
    %get3A_9 = arith.constant 0 : index
    %get3A_10 = arith.constant 0 : index
    %get3A_11 = vector.load %arg6[%get3A_9, %get3A_10] : memref<32x32xf32, #tpu.memory_space<vmem>>, vector<32x32xf32>
    %dot_general3A_12 = arith.constant dense<0.000000e+00> : vector<2048x32xf32>
    %dot_general3A_13 = tpu.matmul %get3A_8, %get3A_11, %dot_general3A_12 {dimension_numbers = #tpu.dot_dimension_numbers<[1], [0], [0], [1], [0, 0, 1, 1], [], []>, transpose_lhs_hint = false} : vector<2048x32xf32>, vector<32x32xf32>, vector<2048x32xf32> -> vector<2048x32xf32>
    %add3A = arith.addf %dot_general3A_5, %dot_general3A_13 : vector<2048x32xf32>
    %get3A_14 = arith.constant 0 : index
    %get3A_15 = arith.constant 0 : index
    %get3A_16 = vector.load %arg7[%get3A_14, %get3A_15] : memref<1x32xf32, #tpu.memory_space<vmem>>, vector<1x32xf32>
    %add3A_17 = vector.broadcast %get3A_16 : vector<1x32xf32> to vector<2048x32xf32>
    %add3A_18 = arith.addf %add3A, %add3A_17 : vector<2048x32xf32>
    %max3A = arith.constant 0.000000e+00 : f32
    %max3A_19 = vector.broadcast %max3A : f32 to vector<2048x32xf32>
    %max3A_20 = arith.maximumf %add3A_18, %max3A_19 : vector<2048x32xf32>
    %get3A_21 = arith.constant 0 : index
    %get3A_22 = arith.constant 0 : index
    %get3A_23 = vector.load %arg8[%get3A_21, %get3A_22] : memref<32x16xf32, #tpu.memory_space<vmem>>, vector<32x16xf32>
    %dot_general3A_24 = arith.constant dense<0.000000e+00> : vector<2048x16xf32>
    %dot_general3A_25 = tpu.matmul %max3A_20, %get3A_23, %dot_general3A_24 {dimension_numbers = #tpu.dot_dimension_numbers<[1], [0], [0], [1], [0, 0, 1, 1], [], []>, transpose_lhs_hint = false} : vector<2048x32xf32>, vector<32x16xf32>, vector<2048x16xf32> -> vector<2048x16xf32>
    %get3A_26 = arith.constant 0 : index
    %get3A_27 = arith.constant 0 : index
    %get3A_28 = vector.load %arg9[%get3A_26, %get3A_27] : memref<1x16xf32, #tpu.memory_space<vmem>>, vector<1x16xf32>
    %add3A_29 = vector.broadcast %get3A_28 : vector<1x16xf32> to vector<2048x16xf32>
    %add3A_30 = arith.addf %dot_general3A_25, %add3A_29 : vector<2048x16xf32>
    %max3A_31 = arith.constant 0.000000e+00 : f32
    %max3A_32 = vector.broadcast %max3A_31 : f32 to vector<2048x16xf32>
    %max3A_33 = arith.maximumf %add3A_30, %max3A_32 : vector<2048x16xf32>
    %get3A_34 = arith.constant 0 : index
    %get3A_35 = arith.constant 0 : index
    %get3A_36 = vector.load %arg10[%get3A_34, %get3A_35] : memref<16x8xf32, #tpu.memory_space<vmem>>, vector<16x8xf32>
    %dot_general3A_37 = arith.constant dense<0.000000e+00> : vector<2048x8xf32>
    %dot_general3A_38 = tpu.matmul %max3A_33, %get3A_36, %dot_general3A_37 {dimension_numbers = #tpu.dot_dimension_numbers<[1], [0], [0], [1], [0, 0, 1, 1], [], []>, transpose_lhs_hint = false} : vector<2048x16xf32>, vector<16x8xf32>, vector<2048x8xf32> -> vector<2048x8xf32>
    %get3A_39 = arith.constant 0 : index
    %get3A_40 = arith.constant 0 : index
    %get3A_41 = vector.load %arg11[%get3A_39, %get3A_40] : memref<1x8xf32, #tpu.memory_space<vmem>>, vector<1x8xf32>
    %add3A_42 = vector.broadcast %get3A_41 : vector<1x8xf32> to vector<2048x8xf32>
    %add3A_43 = arith.addf %dot_general3A_38, %add3A_42 : vector<2048x8xf32>
    %max3A_44 = arith.constant 0.000000e+00 : f32
    %max3A_45 = vector.broadcast %max3A_44 : f32 to vector<2048x8xf32>
    %max3A_46 = arith.maximumf %add3A_43, %max3A_45 : vector<2048x8xf32>
    %get3A_47 = arith.constant 0 : index
    %get3A_48 = arith.constant 0 : index
    %get3A_49 = vector.load %arg3[%get3A_47, %get3A_48] : memref<2048x8xf32, #tpu.memory_space<vmem>>, vector<2048x8xf32>
    %get3A_50 = arith.constant 0 : index
    %get3A_51 = arith.constant 0 : index
    %get3A_52 = vector.load %arg4[%get3A_50, %get3A_51] : memref<2048x8xf32, #tpu.memory_space<vmem>>, vector<2048x8xf32>
    %mul3A = arith.mulf %get3A_49, %get3A_52 : vector<2048x8xf32>
    %get3A_53 = arith.constant 0 : index
    %get3A_54 = arith.constant 0 : index
    %get3A_55 = vector.load %arg12[%get3A_53, %get3A_54] : memref<8x1xf32, #tpu.memory_space<vmem>>, vector<8x1xf32>
    %dot_general3A_56 = arith.constant dense<0.000000e+00> : vector<2048x1xf32>
    %dot_general3A_57 = tpu.matmul %mul3A, %get3A_55, %dot_general3A_56 {dimension_numbers = #tpu.dot_dimension_numbers<[1], [0], [0], [1], [0, 0, 1, 1], [], []>, transpose_lhs_hint = false} : vector<2048x8xf32>, vector<8x1xf32>, vector<2048x1xf32> -> vector<2048x1xf32>
    %get3A_58 = arith.constant 0 : index
    %get3A_59 = arith.constant 0 : index
    %get3A_60 = vector.load %arg13[%get3A_58, %get3A_59] : memref<8x1xf32, #tpu.memory_space<vmem>>, vector<8x1xf32>
    %dot_general3A_61 = arith.constant dense<0.000000e+00> : vector<2048x1xf32>
    %dot_general3A_62 = tpu.matmul %max3A_46, %get3A_60, %dot_general3A_61 {dimension_numbers = #tpu.dot_dimension_numbers<[1], [0], [0], [1], [0, 0, 1, 1], [], []>, transpose_lhs_hint = false} : vector<2048x8xf32>, vector<8x1xf32>, vector<2048x1xf32> -> vector<2048x1xf32>
    %add3A_63 = arith.addf %dot_general3A_57, %dot_general3A_62 : vector<2048x1xf32>
    %get3A_64 = arith.constant 0 : index
    %get3A_65 = arith.constant 0 : index
    %get3A_66 = vector.load %arg14[%get3A_64, %get3A_65] : memref<1x1xf32, #tpu.memory_space<vmem>>, vector<1x1xf32>
    %add3A_67 = vector.broadcast %get3A_66 : vector<1x1xf32> to vector<2048x1xf32>
    %add3A_68 = arith.addf %add3A_63, %add3A_67 : vector<2048x1xf32>
    %squeeze3A = vector.shape_cast %add3A_68 : vector<2048x1xf32> to vector<2048xf32>
    %logistic3A = arith.negf %squeeze3A : vector<2048xf32>
    %logistic3A_69 = math.exp %logistic3A : vector<2048xf32>
    %logistic3A_70 = arith.constant 1.000000e+00 : f32
    %logistic3A_71 = vector.broadcast %logistic3A_70 : f32 to vector<2048xf32>
    %logistic3A_72 = arith.addf %logistic3A_71, %logistic3A_69 : vector<2048xf32>
    %logistic3A_73 = arith.divf %logistic3A_71, %logistic3A_72 : vector<2048xf32>
    %swap3A = arith.constant 0 : index
    %swap3A_74 = vector.load %arg15[%swap3A] : memref<2048xf32, #tpu.memory_space<vmem>>, vector<2048xf32>
    tpu.vector_store %arg15[%swap3A], %logistic3A_73 {strides = array<i32>} : memref<2048xf32, #tpu.memory_space<vmem>>, vector<2048xf32>,
    return
  }
  func.func @transform_0(%arg0: i32) -> (i32, i32) {
    %c0_i32 = arith.constant 0 : i32
    %c0_i32_0 = arith.constant 0 : i32
    return %arg0, %c0_i32 : i32, i32
  }
  func.func @transform_1(%arg0: i32) -> (i32, i32) {
    %c0_i32 = arith.constant 0 : i32
    %c0_i32_0 = arith.constant 0 : i32
    return %arg0, %c0_i32 : i32, i32
  }
  func.func @transform_2(%arg0: i32) -> (i32, i32) {
    %c0_i32 = arith.constant 0 : i32
    %c0_i32_0 = arith.constant 0 : i32
    return %arg0, %c0_i32 : i32, i32
  }
  func.func @transform_3(%arg0: i32) -> (i32, i32) {
    %c0_i32 = arith.constant 0 : i32
    %c0_i32_0 = arith.constant 0 : i32
    return %arg0, %c0_i32 : i32, i32
  }
  func.func @transform_4(%arg0: i32) -> (i32, i32) {
    %c0_i32 = arith.constant 0 : i32
    %c0_i32_0 = arith.constant 0 : i32
    %c0_i32_1 = arith.constant 0 : i32
    return %c0_i32, %c0_i32_0 : i32, i32
  }
  func.func @transform_5(%arg0: i32) -> (i32, i32) {
    %c0_i32 = arith.constant 0 : i32
    %c0_i32_0 = arith.constant 0 : i32
    %c0_i32_1 = arith.constant 0 : i32
    return %c0_i32, %c0_i32_0 : i32, i32
  }
  func.func @transform_6(%arg0: i32) -> (i32, i32) {
    %c0_i32 = arith.constant 0 : i32
    %c0_i32_0 = arith.constant 0 : i32
    %c0_i32_1 = arith.constant 0 : i32
    return %c0_i32, %c0_i32_0 : i32, i32
  }
  func.func @transform_7(%arg0: i32) -> (i32, i32) {
    %c0_i32 = arith.constant 0 : i32
    %c0_i32_0 = arith.constant 0 : i32
    %c0_i32_1 = arith.constant 0 : i32
    return %c0_i32, %c0_i32_0 : i32, i32
  }
  func.func @transform_8(%arg0: i32) -> (i32, i32) {
    %c0_i32 = arith.constant 0 : i32
    %c0_i32_0 = arith.constant 0 : i32
    %c0_i32_1 = arith.constant 0 : i32
    return %c0_i32, %c0_i32_0 : i32, i32
  }
  func.func @transform_9(%arg0: i32) -> (i32, i32) {
    %c0_i32 = arith.constant 0 : i32
    %c0_i32_0 = arith.constant 0 : i32
    %c0_i32_1 = arith.constant 0 : i32
    return %c0_i32, %c0_i32_0 : i32, i32
  }
  func.func @transform_10(%arg0: i32) -> (i32, i32) {
    %c0_i32 = arith.constant 0 : i32
    %c0_i32_0 = arith.constant 0 : i32
    %c0_i32_1 = arith.constant 0 : i32
    return %c0_i32, %c0_i32_0 : i32, i32
  }
  func.func @transform_11(%arg0: i32) -> (i32, i32) {
    %c0_i32 = arith.constant 0 : i32
    %c0_i32_0 = arith.constant 0 : i32
    %c0_i32_1 = arith.constant 0 : i32
    return %c0_i32, %c0_i32_0 : i32, i32
  }
  func.func @transform_12(%arg0: i32) -> (i32, i32) {
    %c0_i32 = arith.constant 0 : i32
    %c0_i32_0 = arith.constant 0 : i32
    %c0_i32_1 = arith.constant 0 : i32
    return %c0_i32, %c0_i32_0 : i32, i32
  }
  func.func @transform_13(%arg0: i32) -> (i32, i32) {
    %c0_i32 = arith.constant 0 : i32
    %c0_i32_0 = arith.constant 0 : i32
    %c0_i32_1 = arith.constant 0 : i32
    return %c0_i32, %c0_i32_0 : i32, i32
  }
  func.func @transform_14(%arg0: i32) -> i32 {
    %c0_i32 = arith.constant 0 : i32
    return %arg0 : i32
  }
}

</mosaic_0001>

<sc_bundles>
// kernel: kernel.5.cloned.1.call-start
scs
__scs_entry_jumppad:
0x0: {  	(pc) =	sbr.rel $0x88, $3  }
0x1: {  	(tag) =	ssettag $0x0;
	lr =	simm.s32 $0x1  }
0x2: {  	[smem:$0x3F93] =	sst lr;
	_ =	strace $0xD0000000  }
0x3: {  	_ = 	snop  }
0x4: {  	_ = 	snop  }
0x5: {  	_ = 	snop  }
0x6: {  	_ = 	snop  }
0x7: {  	_ = 	snop  }
__scs_overlays_trampoline_lowered:
0x8: {  	[smem:$0x3FA2] =	sst s0  }
0x9: {  	[smem:$0x3FA3] =	sst s1  }
0xa: {  	[smem:$0x3FA4] =	sst s2  }
0xb: {  	[smem:$0x3FA5] =	sst s3  }
0xc: {  	[smem:$0x3FA6] =	sst s4  }
0xd: {  	[smem:$0x3FA7] =	sst s5  }
0xe: {  	[smem:$0x3FA8] =	sst s6  }
0xf: {  	[smem:$0x3FA9] =	sst s7  }
0x10: {  	[smem:$0x3FAA] =	sst s8  }
0x11: {  	[smem:$0x3FAB] =	sst s9;
	s0 =	simm.s32 @!p0 $0x0  }
0x12: {  	s1 =	sld [smem:$0x3F91];
	s0 =	simm.s32 @p0 $0x1  }
0x13: {  	[smem:$0x3FAC] =	sst s0;
	s0 =	simm.s32 @!p1 $0x0  }
0x14: {  	s2 =	sld [smem:$0x3F90];
	s0 =	simm.s32 @p1 $0x1  }
0x15: {  	[smem:$0x3FAD] =	sst s0;
	s0 =	simm.s32 @!p2 $0x0  }
0x16: {  	s3 =	sld [smem:$0x3FDB];
	s0 =	simm.s32 @p2 $0x1  }
0x17: {  	s4 =	simm.s32 $0x1BF5;
	[smem:$0x3FAF] =	sst s0  }
0x18: {  	s0 =	sld [smem:$0x3F92];
	_ =	swait.ge [sflag:s4], $0x0  }
0x19: {  	s7 =	sld [smem:$0x3F93]  }
0x1a: {  	s8 =	sadd.s32 $0xFFFFE003, lr  }
0x1b: {  	s9 =	sadd.s32 $0xFFFFFEF7, lr;
	s5 =	simm.s32 $0xFFFFFFFF;
	p2 =	slt.u32 s8, $0xFFFFF086  }
0x1c: {  	p1 =	slt.u32 s9, $0xF7A;
	s5 =	simm.s32 @!p2 $0x0  }
0x1d: {  	s5 =	simm.s32 @p1 $0x1;
	p0 =	seq.s32 s7, s2  }
0x1e: {  	s7 =	smul.u32 @!p0 $0xF7A, s2;
	p2 =	seq.s32 @!p0 s5, $0x0  }
0x1f: {  	s9 =	smul.u32 $0xF7A, s1;
	s8 =	simm.s32 @!p0 $0x1BF5;
	p2 =	por !p2, p0  }
0x20: {  	[sflag:s8] =	ssyncset.s32 @!p0 $0xFFFFF086;
	s6 =	sadd.s32 @!p0 s3, s7;
	s7 =	simm.s32 @!p0 $0x108  }
0x21: {  	s3 =	sadd.s32 s3, s9;
	s6 =	sadd.s32 @!p0 $0x88, s6;
	s7 =	simm.s32 @p2 $0x1082  }
0x22: {  	[simem:s7], [sflag:s8] =	dma.local @!p0 [hbm:s6], $0xF7A  }
0x23: {  	s9 =	sor.u32 $0xD0000000, s2;
	s6 =	simm.s32 $0x108;
	_ =	swait.ge @!p0 [sflag:s8], $0x0  }
0x24: {  	s3 =	sadd.s32 $0x88, s3;
	s6 =	simm.s32 @!p1 $0x1082;
	[sflag:s4] =	ssyncset.s32 $0xFFFFF086  }
0x25: {  	[simem:s6], [sflag:s4] =	dma.local [hbm:s3], $0xF7A  }
0x26: {  	[smem:$0x3F93] =	sst s1;
	(tag) =	ssettag s2;
	_ =	strace s9  }
0x27: {  	s1 =	sld [smem:$0x3FA3]  }
0x28: {  	s2 =	sld [smem:$0x3FA4]  }
0x29: {  	s4 =	sld [smem:$0x3FA6]  }
0x2a: {  	p0 =	seq.s32 s5, $0x0;
	s5 =	sld [smem:$0x3FA7]  }
0x2b: {  	s6 =	sld [smem:$0x3FA8]  }
0x2c: {  	s7 =	sld [smem:$0x3FA9]  }
0x2d: {  	s3 =	simm.s32 $0x108;
	s8 =	sld [smem:$0x3FAA]  }
0x2e: {  	s3 =	simm.s32 @!p0 $0x1082;
	s9 =	sld [smem:$0x3FAB]  }
0x2f: {  	lr =	sadd.s32 s0, s3;
	s0 =	sld [smem:$0x3FA2]  }
0x30: {  	s3 =	sld [smem:$0x3FA5]  }
0x31: {  	[smem:$0x3FAE] =	sst s10  }
0x32: {  	s10 =	sld [smem:$0x3FAC];
	_ =	sdelay $0x3  }
0x33: {  	p0 =	seq.s32 s10, $0x1;
	s10 =	sld [smem:$0x3FAE];
	_ =	sdelay $0x3  }
0x34: {  	[smem:$0x3FAE] =	sst s10  }
0x35: {  	s10 =	sld [smem:$0x3FAD];
	_ =	sdelay $0x3  }
0x36: {  	p1 =	seq.s32 s10, $0x1;
	s10 =	sld [smem:$0x3FAE];
	_ =	sdelay $0x3  }
0x37: {  	[smem:$0x3FAE] =	sst s10  }
0x38: {  	s10 =	sld [smem:$0x3FAF]  }
0x39: {  	_ = 	snop;
	(pc) =	sbr.ind lr, $3  }
0x3a: {  	_ = 	snop  }
0x3b: {  	_ = 	snop  }
0x3c: {  	p2 =	seq.s32 s10, $0x1;
	s10 =	sld [smem:$0x3FAE]  }
0x3d: {  	_ =	shalt  }
0x3e: {  	_ =	shalt  }
0x3f: {  	_ =	shalt  }
0x40: {  	_ =	shalt  }
0x41: {  	_ =	shalt  }
0x42: {  	_ =	shalt  }
0x43: {  	_ =	shalt  }
0x44: {  	_ =	shalt  }
0x45: {  	_ =	shalt  }
0x46: {  	_ =	shalt  }
0x47: {  	_ =	shalt  }
0x48: {  	_ =	shalt  }
0x49: {  	_ =	shalt  }
0x4a: {  	_ =	shalt  }
0x4b: {  	_ =	shalt  }
0x4c: {  	_ =	shalt  }
0x4d: {  	_ =	shalt  }
0x4e: {  	_ =	shalt  }
0x4f: {  	_ =	shalt  }
0x50: {  	_ =	shalt  }
0x51: {  	_ =	shalt  }
0x52: {  	_ =	shalt  }
0x53: {  	_ =	shalt  }
0x54: {  	_ =	shalt  }
0x55: {  	_ =	shalt  }
0x56: {  	_ =	shalt  }
0x57: {  	_ =	shalt  }
0x58: {  	_ =	shalt  }
0x59: {  	_ =	shalt  }
0x5a: {  	_ =	shalt  }
0x5b: {  	_ =	shalt  }
0x5c: {  	_ =	shalt  }
0x5d: {  	_ =	shalt  }
0x5e: {  	_ =	shalt  }
0x5f: {  	_ =	shalt  }
0x60: {  	_ =	shalt  }
0x61: {  	_ =	shalt  }
0x62: {  	_ =	shalt  }
0x63: {  	_ =	shalt  }
0x64: {  	_ =	shalt  }
0x65: {  	_ =	shalt  }
0x66: {  	_ =	shalt  }
0x67: {  	_ =	shalt  }
0x68: {  	_ =	shalt  }
0x69: {  	_ =	shalt  }
0x6a: {  	_ =	shalt  }
0x6b: {  	_ =	shalt  }
0x6c: {  	_ =	shalt  }
0x6d: {  	_ =	shalt  }
0x6e: {  	_ =	shalt  }
0x6f: {  	_ =	shalt  }
0x70: {  	_ =	shalt  }
0x71: {  	_ =	shalt  }
0x72: {  	_ =	shalt  }
0x73: {  	_ =	shalt  }
0x74: {  	_ =	shalt  }
0x75: {  	_ =	shalt  }
0x76: {  	_ =	shalt  }
0x77: {  	_ =	shalt  }
0x78: {  	_ =	shalt  }
0x79: {  	_ =	shalt  }
0x7a: {  	_ =	shalt  }
0x7b: {  	_ =	shalt  }
0x7c: {  	_ =	shalt  }
0x7d: {  	_ =	shalt  }
0x7e: {  	_ =	shalt  }
0x7f: {  	_ =	shalt  }
0x80: {  	_ =	shalt  }
0x81: {  	_ =	shalt  }
0x82: {  	_ =	shalt  }
0x83: {  	_ =	shalt  }
0x84: {  	_ =	shalt  }
0x85: {  	_ =	shalt  }
0x86: {  	_ =	shalt  }
0x87: {  	_ =	shalt  }
.Lfunc_end0:
.L_simem_size_0:
called_computation_lowered:
.L_overlay_start_0:
0x88: {  	s2 =	sld [smem:$0x3FD9]  }
0x89: {  	s3 =	sld [smem:$0x3FFE];
	_ =	sdelay $0x1  }
0x8a: {  	s1 =	srdreg.scid  }
0x8b: {  	s0 =	sand.u32 $0x1, s1  }
0x8c: {  	s17 =	sshll.u32 s0, $0xA;
	s2 =	sadd.s32 s3, s2  }
0x8d: {  	s2 =	sadd.s32 s2, s17  }
0x8e: {  	[smem:$0x3FBA] =	sst s2  }
0x8f: {  	_ = 	snop  }
0x90: {  	s18 =	sld [smem:$0x3FC9]  }
0x91: {  	s4 =	sld [smem:$0x3FC8];
	(tm) =	ssettm $0x1  }
0x92: {  	s19 =	sld [smem:$0x3FFB];
	_ =	sdelay $0x3  }
0x93: {  	_ =	strace s19  }
0x94: {  	s2 =	sld [smem:$0x3FFC];
	_ =	sdelay $0x3  }
0x95: {  	_ =	strace s2  }
0x96: {  	s2 =	sld [smem:$0x3FFD];
	_ =	sdelay $0x3  }
0x97: {  	_ =	strace s2  }
0x98: {  	_ =	strace $0x8FFFFFFF  }
0x99: {  	s20 =	sld [smem:$0x3FDB];
	_ =	sdelay $0x1  }
0x9a: {  	s5 =	simm.s32 $_scs_section_size  }
0x9b: {  	s6 =	simm.s32 $_size__tile_overlayer_lowered;
	s7 =	simm.s32 $_tile_overlayer_lowered  }
0x9c: {  	s8 =	simm.s32 $0x1BFF;
	s21 =	sshll.u32 s7, $0x1;
	s5 =	sadd.s32 s5, s20  }
0x9d: {  	s22 =	simm.s32 $0x0;
	s6 =	sshll.u32 s6, $0x1;
	s7 =	sadd.s32 s21, s5  }
0x9e: {  	[timem:s22], [sflag:s8] =	dma.local [hbm:s7], s6  }
0x9f: {  	_ =	swait.ge [sflag:s8], s6  }
0xa0: {  	s6 =	ssub.s32 $0x0, s6;
	[sflag:s8] =	ssyncset.done $0x0  }
0xa1: {  	[sflag:s8] =	ssyncadd.s32 s6;
	_ =	sdelay $0x1  }
0xa2: {  	s23 =	simm.s32 $0x1B8B  }
0xa3: {  	_ =	swait.ge [sflag:s23], $0x1  }
0xa4: {  	[sflag:s23] =	ssyncset.done $0x0  }
0xa5: {  	[sflag:s23] =	ssyncadd.s32 $0xFFFFFFFF  }
0xa6: {  	s6 =	sld [smem:$0x0]  }
0xa7: {  	s7 =	sand.u32 $0xFFFFFFFE, s1  }
0xa8: {  	p0 =	sne.s32 s1, s7  }
0xa9: {  	s7 =	sshll.u32 @p0 s7, $0xE  }
0xaa: {  	s7 =	sadd.s32 @p0 $0x11B8D, s7;
	s8 =	sshll.u32 @p0 s6, $0x11  }
0xab: {  	s7 =	sor.u32 @p0 s8, s7  }
0xac: {  	[sflag:s7] =	ssyncadd.remote.s32 @p0 $0x1;
	_ =	sdelay $0x1  }
0xad: {  	s7 =	simm.s32 @p0 $0x1B8D  }
0xae: {  	_ =	swait.eq @p0 [sflag:s7], $0x1  }
0xaf: {  	[sflag:s7] =	ssyncadd.s32 @p0 $0xFFFFFFFF  }
0xb0: {  	s8 =	sshll.u32 @!p0 s1, $0xE  }
0xb1: {  	s8 =	sor.u32 @!p0 $0x4000, s8;
	s7 =	simm.s32 @!p0 $0x1B8D  }
0xb2: {  	s6 =	sshll.u32 @!p0 s6, $0x11;
	s8 =	sadd.s32 @!p0 $0x11B8D, s8;
	_ =	swait.eq @!p0 [sflag:s7], $0x1  }
0xb3: {  	s6 =	sor.u32 @!p0 s6, s8;
	[sflag:s7] =	ssyncadd.s32 @!p0 $0xFFFFFFFF  }
0xb4: {  	s25 =	simm.s32 $0x1B8E;
	s24 =	sld [smem:$0x3FFE];
	[sflag:s6] =	ssyncadd.remote.s32 @!p0 $0x1  }
0xb5: {  	s26 =	simm.s32 $execute0_lowered;
	[smem:$0x3FD2] =	sst s25  }
0xb6: {  	s7 =	sshll.u32 s26, $0x1;
	_ =	strace $0x80000049;
	[dreg:$0x1] =	wrdreg $0xFFFFFFFF  }
0xb7: {  	s28 =	simm.s32 $_size_execute0_lowered;
	s5 =	sadd.s32 s5, s7;
	[dreg:$0x0] =	wrdreg $0x0  }
0xb8: {  	s7 =	sshll.u32 s28, $0x1;
	[dreg:$0x2] =	wrdreg s5  }
0xb9: {  	[dreg:$0x3] =	wrdreg s7  }
0xba: {  	[dreg:$0x4] =	wrdreg $0xC0  }
0xbb: {  	_ =	task [dreg:s22], $0x5FFFF  }
0xbc: {  	[dreg:$0x1] =	wrdreg $0xFFFFFFFF  }
0xbd: {  	[dreg:$0x0] =	wrdreg $0x60  }
0xbe: {  	[dreg:$0x2] =	wrdreg s18  }
0xbf: {  	[dreg:$0x3] =	wrdreg s4  }
0xc0: {  	[dreg:$0x4] =	wrdreg s24  }
0xc1: {  	[dreg:$0x5] =	wrdreg $0x9  }
0xc2: {  	_ =	task.clear_ibuf [dreg:s22], $0x6FFFF;
	_ =	strace $0x90000049  }
0xc3: {  	s29 =	simm.s32 $0x9;
	_ =	strace $0x8000004B  }
0xc4: {  	_ =	swait.ge [sflag:s29], $0x1  }
0xc5: {  	[sflag:s29] =	ssyncadd.s32 $0xFFFFFFFF  }
0xc6: {  	_ =	strace $0x9000004B  }
0xc7: {  	_ =	sfence  }
0xc8: {  	s30 =	sld [smem:$0x0];
	_ =	sdelay $0x2  }
0xc9: {  	s31 =	sshll.u32 s1, $0xD;
	s1 =	sshrl.u32 s1, $0x2  }
0xca: {  	s4 =	sand.u32 $0x4000, s31;
	s1 =	sadd.s32 s1, s30  }
0xcb: {  	s0 =	sor.u32 s4, s0;
	s1 =	sshll.u32 s1, $0x11  }
0xcc: {  	s0 =	sor.u32 s1, s0  }
0xcd: {  	s0 =	sadd.s32 $0x8F2B, s0  }
0xce: {  	[sflag:s0] =	ssyncadd.remote.s32 $0x1  }
0xcf: {  	_ =	sfence.sel $0xFFFF  }
0xd0: {  	[dreg:$0x0] =	wrdreg $0xFFFFFFFF;
	(pc) =	sbr.abs _section_cstart, $3  }
0xd1: {  	[dreg:$0x1] =	wrdreg $0xFFFFFFFF  }
0xd2: {  	_ =	task.clear_ibuf [dreg:s22], $0x2FFFF;
	_ =	strace $0x9FFFFFFF  }
0xd3: {  	(tm) =	ssettm $0x7FFFFFFF  }
tec
execute0_lowered:
.L_overlay_start_1:
0x0: {  	(tag) =	ssettag $0x1  }
0x1: {  	s5 =	rddreg [dreg:$0x0]  }
0x2: {  	s6 =	rddreg [dreg:$0x1]  }
0x3: {  	s7 =	rddreg [dreg:$0x2];
	s1 =	simm.s32 $0x0;
	s8 =	srdreg.scid  }
0x4: {  	s2 =	stileid.u32;
	s18 =	simm.s32 $0x1;
	s19 =	simm.s32 $0x3  }
0x5: {  	s20 =	simm.s32 $0x2;
	s21 =	simm.s32 $0x4;
	s22 =	simm.s32 $0x500  }
0x6: {  	s23 =	simm.s32 $0x4500;
	s24 =	simm.s32 $0x0;
	[smem:$0x7FF] =	sst s1  }
0x7: {  	s3 =	sadd.s32 $0x1F07000, s7;
	s4 =	sadd.s32 $0x2E49400, s7;
	s8 =	sand.u32 $0x1, s8  }
0x8: {  	s10 =	sshll.u32 s2, $0xA;
	s9 =	ssub.s32 $0x2, s8;
	s8 =	sshll.u32 s8, $0x9  }
0x9: {  	s11 =	sadd.s32 $0x3D8B800, s7;
	s14 =	sadd.s32 $0x3DCB800, s7;
	s8 =	sor.u32 s8, s10  }
0xa: {  	_ =	strace $0x8000004A;
	s12 =	sshrl.u32 s9, $0x1;
	s30 =	sshrl.u32 s8, $0x3  }
0xb: {  	s15 =	ssub.s32 s9, s12;
	s31 =	sshll.u32 s8, $0x4;
	s5 =	sadd.s32 s5, s30  }
0xc: {  	s6 =	sadd.s32 s6, s30;
	s7 =	sadd.s32 s11, s31;
	s13 =	sor.u32 $0x800, s31  }
0xd: {  	s16 =	sor.u32 $0x1000, s31;
	s17 =	sor.u32 $0x1800, s31;
	s15 =	smax.u32 s15, $0x1  }
0xe: {  	s8 =	sadd.s32 s11, s13;
	s9 =	sadd.s32 s11, s16;
	s10 =	sadd.s32 s11, s17  }
0xf: {  	s11 =	sadd.s32 s14, s31;
	s12 =	sadd.s32 s14, s13;
	s13 =	sadd.s32 s14, s16  }
0x10: {  	s14 =	sadd.s32 s14, s17;
	s16 =	simm.s32 $0x5;
	s17 =	simm.s32 $0x280  }
.LBB2_1:
0x11: {  	[tilespmem:s1], [sflag:$0x5] =	stream.linear.gather [hbm4b:s5+s1], $0x200, $0x38;
	[tilespmem:$0x8500] =	vst v63  }
0x12: {  	_ =	swait.ge [sflag:s16], $0x200  }
0x13: {  	[sflag:s16] =	ssyncset.done $0x0  }
0x14: {  	[sflag:s16] =	ssyncadd.s32 $0xFFFFFE00  }
0x15: {  	[tilespmem:s17], [sflag:$0x5] =	stream.linear.gather [hbm4b:s6+s1], $0x200, $0x38;
	[tilespmem:$0x8500] =	vst v63  }
0x16: {  	_ =	swait.ge [sflag:s16], $0x200  }
0x17: {  	[sflag:s16] =	ssyncset.done $0x0  }
0x18: {  	s25 =	simm.s32 $0x0;
	[sflag:s16] =	ssyncadd.s32 $0xFFFFFE00  }
0x19: {  	v0 =	vld [tilespmem:s25+$0x0];
	_ =	sdelay $0x4  }
0x1a: {  	(v2sf) =	vpush v0, $0x0;
	_ =	sdelay $0xe  }
0x1b: {  	s30 =	spop (v2sf)  }
0x1c: {  	s25 =	sshll.u32 s30, $0x4  }
0x1d: {  	s25 =	sand.u32 $0x1FFFFFF0, s25  }
0x1e: {  	s31 =	simm.s32 $0x1;
	s25 =	sadd.s32 s3, s25  }
0x1f: {  	[tilespmem:s22], [sflag:$0x1] =	stream.linear.gather [hbm4b:s25+s1], $0x80, $0x38;
	[tilespmem:$0x8500] =	vst v63  }
0x20: {  	s26 =	simm.s32 $0x8;
	s25 =	simm.s32 $0x500;
	v0 =	vld [tilespmem:s31+$0x0]  }
.LBB2_2:
0x21: {  	p0 =	sne.s32 s26, $0x1FC;
	_ =	sdelay $0x3  }
0x22: {  	(v2sf) =	vpush v0, $0x0;
	_ =	sdelay $0xe  }
0x23: {  	s28 =	spop (v2sf)  }
.Ltmp0:
0x24: {  	s28 =	sshll.u32 s28, $0x4;
	(pc) =	sbr.rel @p0 .LBB2_2-.Ltmp0, $4  }
0x25: {  	s25 =	sadd.s32 $0x80, s25;
	s28 =	sand.u32 $0x1FFFFFF0, s28  }
0x26: {  	s29 =	sshra.s32 s26, $0x2;
	s30 =	sadd.s32 s3, s28;
	s28 =	simm.s32 $0x0  }
0x27: {  	[tilespmem:s25], [sflag:$0x1] =	stream.linear.gather [hbm4b:s30+s28], $0x80, $0x38;
	[tilespmem:$0x8500] =	vst v63  }
0x28: {  	s26 =	sadd.s32 $0x4, s26;
	v0 =	vld [tilespmem:s29+$0x0]  }
0x29: {  	_ =	sdelay $0x3  }
0x2a: {  	(v2sf) =	vpush v0, $0x0;
	_ =	sdelay $0xe  }
0x2b: {  	p1 =	por $0x1, $0x1;
	s26 =	spop (v2sf)  }
.Ltmp1:
0x2c: {  	s26 =	sshll.u32 s26, $0x4;
	(pc) =	sbr.rel @!p1 .LBB2_4-.Ltmp1, $4  }
0x2d: {  	s26 =	sand.u32 $0x1FFFFFF0, s26  }
0x2e: {  	s25 =	sadd.s32 $0x80, s25;
	s31 =	simm.s32 $0x0;
	s26 =	sadd.s32 s3, s26  }
0x2f: {  	[tilespmem:s25], [sflag:$0x1] =	stream.linear.gather [hbm4b:s26+s28], $0x80, $0x38;
	[tilespmem:$0x8500] =	vst v63  }
0x30: {  	p0 =	por $0x0, $0x0;
	s25 =	simm.s32 $0x4500;
	v0 =	vld [tilespmem:s31+$0x80]  }
0x31: {  	_ =	sdelay $0x3  }
0x32: {  	(v2sf) =	vpush v0, $0x0;
	_ =	sdelay $0xe  }
0x33: {  	p1 =	por $0x1, $0x1;
	s26 =	spop (v2sf)  }
.Ltmp2:
0x34: {  	s26 =	sshll.u32 s26, $0x4;
	(pc) =	sbr.rel @!p1 .LBB2_6-.Ltmp2, $4  }
0x35: {  	s26 =	sand.u32 $0x1FFFFFF0, s26  }
0x36: {  	s31 =	simm.s32 $0x1;
	s26 =	sadd.s32 s3, s26  }
0x37: {  	[tilespmem:s25], [sflag:$0x2] =	stream.linear.gather [hbm4b:s26+s1], $0x80, $0x38;
	[tilespmem:$0x8500] =	vst v63  }
0x38: {  	s28 =	simm.s32 $0x8;
	p0 =	por $0x1, $0x1;
	s26 =	simm.s32 $0x4500;
	v0 =	vld [tilespmem:s31+$0x80]  }
.LBB2_7:
0x39: {  	p1 =	sne.s32 s28, $0x1FC;
	_ =	sdelay $0x3  }
0x3a: {  	(v2sf) =	vpush v0, $0x0;
	_ =	sdelay $0xe  }
0x3b: {  	s29 =	spop (v2sf)  }
.Ltmp3:
0x3c: {  	s29 =	sshll.u32 s29, $0x4;
	(pc) =	sbr.rel @p1 .LBB2_7-.Ltmp3, $4  }
0x3d: {  	s29 =	sand.u32 $0x1FFFFFF0, s29  }
0x3e: {  	s30 =	sshra.s32 s28, $0x2;
	s26 =	sadd.s32 $0x80, s26;
	s29 =	sadd.s32 s3, s29  }
0x3f: {  	[tilespmem:s26], [sflag:$0x2] =	stream.linear.gather [hbm4b:s29+s1], $0x80, $0x38;
	[tilespmem:$0x8500] =	vst v63  }
0x40: {  	s28 =	sadd.s32 $0x4, s28;
	v0 =	vld [tilespmem:s30+$0x80]  }
.LBB2_8:
0x41: {  	_ =	sdelay $0x3  }
0x42: {  	(v2sf) =	vpush v0, $0x0;
	_ =	sdelay $0xe  }
0x43: {  	s28 =	spop (v2sf)  }
0x44: {  	s28 =	sshll.u32 s28, $0x4  }
0x45: {  	s26 =	sadd.s32 @p0 $0x80, s26;
	s28 =	sand.u32 $0x1FFFFFF0, s28  }
0x46: {  	s25 =	smov.u32 @p0 s26;
	s28 =	sadd.s32 s3, s28  }
0x47: {  	[tilespmem:s25], [sflag:$0x2] =	stream.linear.gather [hbm4b:s28+s1], $0x80, $0x38;
	[tilespmem:$0x8500] =	vst v63  }
0x48: {  	_ =	swait.ge [sflag:s18], $0x80  }
0x49: {  	s25 =	simm.s32 $0x7F;
	[sflag:s18] =	ssyncset.done $0x0  }
.LBB2_9:
0x4a: {  	p0 =	sne.s32 s25, $0x1;
	s25 =	sadd.s32 $0xFFFFFFFF, s25;
	[sflag:s18] =	ssyncadd.s32 $0xFFFFFF80  }
.Ltmp4:
0x4b: {  	(pc) =	sbr.rel @p0 .LBB2_9-.Ltmp4, $3  }
0x4c: {  	_ =	sdelay $0x1  }
0x4d: {  	_ =	swait.ge [sflag:s18], $0x80  }
0x4e: {  	[sflag:s18] =	ssyncset.done $0x0  }
0x4f: {  	[sflag:s18] =	ssyncadd.s32 $0xFFFFFF80;
	s26 =	simm.s32 $0x0;
	s25 =	simm.s32 $0x500  }
0x50: {  	[hbm4b:s7+s26] =	stream.linear.scatter [tilespmem:s25], [sflag:$0x3], $0x4000, $0x38;
	[tilespmem:$0x8500] =	vst v63  }
0x51: {  	_ =	swait.ge [sflag:s19], $0x4000  }
0x52: {  	[sflag:s19] =	ssyncset.done $0x0  }
0x53: {  	s29 =	simm.s32 $0x0;
	[sflag:s19] =	ssyncadd.s32 $0xFFFFC000  }
0x54: {  	v0 =	vld [tilespmem:s29+$0x100];
	_ =	sdelay $0x4  }
0x55: {  	(v2sf) =	vpush v0, $0x0;
	_ =	sdelay $0xe  }
0x56: {  	s30 =	spop (v2sf)  }
0x57: {  	s26 =	sshll.u32 s30, $0x4  }
0x58: {  	s26 =	sand.u32 $0x1FFFFFF0, s26  }
0x59: {  	s31 =	simm.s32 $0x1;
	s26 =	sadd.s32 s3, s26  }
0x5a: {  	[tilespmem:s25], [sflag:$0x1] =	stream.linear.gather [hbm4b:s26+s1], $0x80, $0x38;
	[tilespmem:$0x8500] =	vst v63  }
0x5b: {  	s26 =	simm.s32 $0x8;
	v0 =	vld [tilespmem:s31+$0x100]  }
.LBB2_11:
0x5c: {  	p0 =	sne.s32 s26, $0x1FC;
	_ =	sdelay $0x3  }
0x5d: {  	(v2sf) =	vpush v0, $0x0;
	_ =	sdelay $0xe  }
0x5e: {  	s28 =	spop (v2sf)  }
.Ltmp5:
0x5f: {  	s28 =	sshll.u32 s28, $0x4;
	(pc) =	sbr.rel @p0 .LBB2_11-.Ltmp5, $4  }
0x60: {  	s28 =	sand.u32 $0x1FFFFFF0, s28  }
0x61: {  	s29 =	sshra.s32 s26, $0x2;
	s25 =	sadd.s32 $0x80, s25;
	s28 =	sadd.s32 s3, s28  }
0x62: {  	[tilespmem:s25], [sflag:$0x1] =	stream.linear.gather [hbm4b:s28+s1], $0x80, $0x38;
	[tilespmem:$0x8500] =	vst v63  }
0x63: {  	s26 =	sadd.s32 $0x4, s26;
	v0 =	vld [tilespmem:s29+$0x100]  }
0x64: {  	_ =	sdelay $0x3  }
0x65: {  	(v2sf) =	vpush v0, $0x0;
	_ =	sdelay $0xe  }
0x66: {  	s26 =	spop (v2sf)  }
0x67: {  	s26 =	sshll.u32 s26, $0x4  }
0x68: {  	s26 =	sand.u32 $0x1FFFFFF0, s26  }
0x69: {  	s25 =	sadd.s32 $0x80, s25;
	s26 =	sadd.s32 s3, s26  }
0x6a: {  	[tilespmem:s25], [sflag:$0x1] =	stream.linear.gather [hbm4b:s26+s1], $0x80, $0x38;
	[tilespmem:$0x8500] =	vst v63  }
0x6b: {  	_ =	swait.ge [sflag:s20], $0x80  }
0x6c: {  	s25 =	simm.s32 $0x7F;
	[sflag:s20] =	ssyncset.done $0x0  }
.LBB2_13:
0x6d: {  	p0 =	sne.s32 s25, $0x1;
	s25 =	sadd.s32 $0xFFFFFFFF, s25;
	[sflag:s20] =	ssyncadd.s32 $0xFFFFFF80  }
.Ltmp6:
0x6e: {  	(pc) =	sbr.rel @p0 .LBB2_13-.Ltmp6, $3  }
0x6f: {  	_ =	sdelay $0x1  }
0x70: {  	_ =	swait.ge [sflag:s20], $0x80  }
0x71: {  	[sflag:s20] =	ssyncset.done $0x0  }
0x72: {  	[sflag:s20] =	ssyncadd.s32 $0xFFFFFF80;
	s26 =	simm.s32 $0x0;
	s25 =	simm.s32 $0x4500  }
0x73: {  	[hbm4b:s8+s26] =	stream.linear.scatter [tilespmem:s25], [sflag:$0x4], $0x4000, $0x38;
	[tilespmem:$0x8500] =	vst v63  }
0x74: {  	_ =	swait.ge [sflag:s21], $0x4000  }
0x75: {  	[sflag:s21] =	ssyncset.done $0x0  }
0x76: {  	s29 =	simm.s32 $0x0;
	[sflag:s21] =	ssyncadd.s32 $0xFFFFC000  }
0x77: {  	v0 =	vld [tilespmem:s29+$0x180];
	_ =	sdelay $0x4  }
0x78: {  	(v2sf) =	vpush v0, $0x0;
	_ =	sdelay $0xe  }
0x79: {  	s30 =	spop (v2sf)  }
0x7a: {  	s26 =	sshll.u32 s30, $0x4  }
0x7b: {  	s26 =	sand.u32 $0x1FFFFFF0, s26  }
0x7c: {  	s31 =	simm.s32 $0x1;
	s26 =	sadd.s32 s3, s26  }
0x7d: {  	[tilespmem:s25], [sflag:$0x2] =	stream.linear.gather [hbm4b:s26+s1], $0x80, $0x38;
	[tilespmem:$0x8500] =	vst v63  }
0x7e: {  	s26 =	simm.s32 $0x8;
	v0 =	vld [tilespmem:s31+$0x180]  }
.LBB2_15:
0x7f: {  	p0 =	sne.s32 s26, $0x1FC;
	_ =	sdelay $0x3  }
0x80: {  	(v2sf) =	vpush v0, $0x0;
	_ =	sdelay $0xe  }
0x81: {  	s28 =	spop (v2sf)  }
.Ltmp7:
0x82: {  	s28 =	sshll.u32 s28, $0x4;
	(pc) =	sbr.rel @p0 .LBB2_15-.Ltmp7, $4  }
0x83: {  	s28 =	sand.u32 $0x1FFFFFF0, s28  }
0x84: {  	s29 =	sshra.s32 s26, $0x2;
	s25 =	sadd.s32 $0x80, s25;
	s28 =	sadd.s32 s3, s28  }
0x85: {  	[tilespmem:s25], [sflag:$0x2] =	stream.linear.gather [hbm4b:s28+s1], $0x80, $0x38;
	[tilespmem:$0x8500] =	vst v63  }
0x86: {  	s26 =	sadd.s32 $0x4, s26;
	v0 =	vld [tilespmem:s29+$0x180]  }
0x87: {  	_ =	sdelay $0x3  }
0x88: {  	(v2sf) =	vpush v0, $0x0;
	_ =	sdelay $0xe  }
0x89: {  	s26 =	spop (v2sf)  }
0x8a: {  	s26 =	sshll.u32 s26, $0x4  }
0x8b: {  	s26 =	sand.u32 $0x1FFFFFF0, s26  }
0x8c: {  	s25 =	sadd.s32 $0x80, s25;
	s26 =	sadd.s32 s3, s26  }
0x8d: {  	[tilespmem:s25], [sflag:$0x2] =	stream.linear.gather [hbm4b:s26+s1], $0x80, $0x38;
	[tilespmem:$0x8500] =	vst v63  }
0x8e: {  	_ =	swait.ge [sflag:s18], $0x80  }
0x8f: {  	s25 =	simm.s32 $0x7F;
	[sflag:s18] =	ssyncset.done $0x0  }
.LBB2_17:
0x90: {  	p0 =	sne.s32 s25, $0x1;
	s25 =	sadd.s32 $0xFFFFFFFF, s25;
	[sflag:s18] =	ssyncadd.s32 $0xFFFFFF80  }
.Ltmp8:
0x91: {  	(pc) =	sbr.rel @p0 .LBB2_17-.Ltmp8, $3  }
0x92: {  	_ =	sdelay $0x1  }
0x93: {  	_ =	swait.ge [sflag:s18], $0x80  }
0x94: {  	[sflag:s18] =	ssyncset.done $0x0  }
0x95: {  	[sflag:s18] =	ssyncadd.s32 $0xFFFFFF80  }
0x96: {  	[hbm4b:s9+s1] =	stream.linear.scatter [tilespmem:s22], [sflag:$0x3], $0x4000, $0x38;
	[tilespmem:$0x8500] =	vst v63  }
0x97: {  	_ =	swait.ge [sflag:s20], $0x80  }
0x98: {  	s25 =	simm.s32 $0x7F;
	[sflag:s20] =	ssyncset.done $0x0  }
.LBB2_19:
0x99: {  	p0 =	sne.s32 s25, $0x1;
	s25 =	sadd.s32 $0xFFFFFFFF, s25;
	[sflag:s20] =	ssyncadd.s32 $0xFFFFFF80  }
.Ltmp9:
0x9a: {  	(pc) =	sbr.rel @p0 .LBB2_19-.Ltmp9, $3  }
0x9b: {  	_ =	sdelay $0x1  }
0x9c: {  	_ =	swait.ge [sflag:s20], $0x80  }
0x9d: {  	[sflag:s20] =	ssyncset.done $0x0  }
0x9e: {  	[sflag:s20] =	ssyncadd.s32 $0xFFFFFF80;
	s25 =	simm.s32 $0x0  }
0x9f: {  	[hbm4b:s10+s25] =	stream.linear.scatter [tilespmem:s23], [sflag:$0x4], $0x4000, $0x38;
	[tilespmem:$0x8500] =	vst v63  }
0xa0: {  	_ =	swait.ge [sflag:s19], $0x4000  }
0xa1: {  	[sflag:s19] =	ssyncset.done $0x0  }
0xa2: {  	[sflag:s19] =	ssyncadd.s32 $0xFFFFC000  }
0xa3: {  	_ =	swait.ge [sflag:s21], $0x4000  }
0xa4: {  	[sflag:s21] =	ssyncset.done $0x0  }
0xa5: {  	s26 =	simm.s32 $0x0;
	[sflag:s21] =	ssyncadd.s32 $0xFFFFC000  }
0xa6: {  	v0 =	vld [tilespmem:s26+$0x280];
	_ =	sdelay $0x4  }
0xa7: {  	(v2sf) =	vpush v0, $0x0;
	_ =	sdelay $0xe  }
0xa8: {  	s28 =	spop (v2sf)  }
0xa9: {  	s28 =	sshll.u32 s28, $0x4  }
0xaa: {  	s28 =	sand.u32 $0x1FFFFFF0, s28  }
0xab: {  	s29 =	simm.s32 $0x500;
	s28 =	sadd.s32 s4, s28  }
0xac: {  	[tilespmem:s29], [sflag:$0x1] =	stream.linear.gather [hbm4b:s28+s25], $0x80, $0x38;
	[tilespmem:$0x8500] =	vst v63  }
0xad: {  	s28 =	simm.s32 $0x1  }
0xae: {  	s30 =	simm.s32 $0x8;
	v0 =	vld [tilespmem:s28+$0x280]  }
.LBB2_21:
0xaf: {  	p0 =	sne.s32 s30, $0x1FC;
	_ =	sdelay $0x3  }
0xb0: {  	(v2sf) =	vpush v0, $0x0;
	_ =	sdelay $0xe  }
0xb1: {  	s31 =	spop (v2sf)  }
.Ltmp10:
0xb2: {  	s31 =	sshll.u32 s31, $0x4;
	(pc) =	sbr.rel @p0 .LBB2_21-.Ltmp10, $4  }
0xb3: {  	s31 =	sand.u32 $0x1FFFFFF0, s31  }
0xb4: {  	s0 =	sshra.s32 s30, $0x2;
	s29 =	sadd.s32 $0x80, s29;
	s31 =	sadd.s32 s4, s31  }
0xb5: {  	[tilespmem:s29], [sflag:$0x1] =	stream.linear.gather [hbm4b:s31+s25], $0x80, $0x38;
	[tilespmem:$0x8500] =	vst v63  }
0xb6: {  	s30 =	sadd.s32 $0x4, s30;
	v0 =	vld [tilespmem:s0+$0x280]  }
0xb7: {  	_ =	sdelay $0x3  }
0xb8: {  	(v2sf) =	vpush v0, $0x0;
	_ =	sdelay $0xe  }
0xb9: {  	s0 =	spop (v2sf)  }
0xba: {  	s0 =	sshll.u32 s0, $0x4  }
0xbb: {  	s0 =	sand.u32 $0x1FFFFFF0, s0  }
0xbc: {  	s29 =	sadd.s32 $0x80, s29;
	s0 =	sadd.s32 s4, s0  }
0xbd: {  	[tilespmem:s29], [sflag:$0x1] =	stream.linear.gather [hbm4b:s0+s25], $0x80, $0x38;
	[tilespmem:$0x8500] =	vst v63  }
0xbe: {  	v0 =	vld [tilespmem:s26+$0x300];
	_ =	sdelay $0x4  }
0xbf: {  	(v2sf) =	vpush v0, $0x0;
	_ =	sdelay $0xe  }
0xc0: {  	s31 =	spop (v2sf)  }
0xc1: {  	s0 =	sshll.u32 s31, $0x4  }
0xc2: {  	s0 =	sand.u32 $0x1FFFFFF0, s0  }
0xc3: {  	s25 =	simm.s32 $0x4500;
	s0 =	sadd.s32 s4, s0  }
0xc4: {  	[tilespmem:s25], [sflag:$0x2] =	stream.linear.gather [hbm4b:s0+s1], $0x80, $0x38;
	[tilespmem:$0x8500] =	vst v63  }
0xc5: {  	s26 =	simm.s32 $0x8;
	v0 =	vld [tilespmem:s28+$0x300]  }
.LBB2_23:
0xc6: {  	p0 =	sne.s32 s26, $0x1FC;
	_ =	sdelay $0x3  }
0xc7: {  	(v2sf) =	vpush v0, $0x0;
	_ =	sdelay $0xe  }
0xc8: {  	s0 =	spop (v2sf)  }
.Ltmp11:
0xc9: {  	s0 =	sshll.u32 s0, $0x4;
	(pc) =	sbr.rel @p0 .LBB2_23-.Ltmp11, $4  }
0xca: {  	s0 =	sand.u32 $0x1FFFFFF0, s0  }
0xcb: {  	s28 =	sshra.s32 s26, $0x2;
	s25 =	sadd.s32 $0x80, s25;
	s0 =	sadd.s32 s4, s0  }
0xcc: {  	[tilespmem:s25], [sflag:$0x2] =	stream.linear.gather [hbm4b:s0+s1], $0x80, $0x38;
	[tilespmem:$0x8500] =	vst v63  }
0xcd: {  	s26 =	sadd.s32 $0x4, s26;
	v0 =	vld [tilespmem:s28+$0x300]  }
0xce: {  	_ =	sdelay $0x3  }
0xcf: {  	(v2sf) =	vpush v0, $0x0;
	_ =	sdelay $0xe  }
0xd0: {  	s0 =	spop (v2sf)  }
0xd1: {  	s0 =	sshll.u32 s0, $0x4  }
0xd2: {  	s0 =	sand.u32 $0x1FFFFFF0, s0  }
0xd3: {  	s25 =	sadd.s32 $0x80, s25;
	s0 =	sadd.s32 s4, s0  }
0xd4: {  	[tilespmem:s25], [sflag:$0x2] =	stream.linear.gather [hbm4b:s0+s1], $0x80, $0x38;
	[tilespmem:$0x8500] =	vst v63  }
0xd5: {  	_ =	swait.ge [sflag:s18], $0x80  }
0xd6: {  	s25 =	simm.s32 $0x7F;
	[sflag:s18] =	ssyncset.done $0x0  }
.LBB2_25:
0xd7: {  	p0 =	sne.s32 s25, $0x1;
	s25 =	sadd.s32 $0xFFFFFFFF, s25;
	[sflag:s18] =	ssyncadd.s32 $0xFFFFFF80  }
.Ltmp12:
0xd8: {  	(pc) =	sbr.rel @p0 .LBB2_25-.Ltmp12, $3  }
0xd9: {  	_ =	sdelay $0x1  }
0xda: {  	_ =	swait.ge [sflag:s18], $0x80  }
0xdb: {  	[sflag:s18] =	ssyncset.done $0x0  }
0xdc: {  	[sflag:s18] =	ssyncadd.s32 $0xFFFFFF80;
	s0 =	simm.s32 $0x0;
	s25 =	simm.s32 $0x500  }
0xdd: {  	[hbm4b:s11+s0] =	stream.linear.scatter [tilespmem:s25], [sflag:$0x3], $0x4000, $0x38;
	[tilespmem:$0x8500] =	vst v63  }
0xde: {  	_ =	swait.ge [sflag:s19], $0x4000  }
0xdf: {  	[sflag:s19] =	ssyncset.done $0x0  }
0xe0: {  	s29 =	simm.s32 $0x0;
	[sflag:s19] =	ssyncadd.s32 $0xFFFFC000  }
0xe1: {  	v0 =	vld [tilespmem:s29+$0x380];
	_ =	sdelay $0x4  }
0xe2: {  	(v2sf) =	vpush v0, $0x0;
	_ =	sdelay $0xe  }
0xe3: {  	s30 =	spop (v2sf)  }
0xe4: {  	s0 =	sshll.u32 s30, $0x4  }
0xe5: {  	s0 =	sand.u32 $0x1FFFFFF0, s0  }
0xe6: {  	s31 =	simm.s32 $0x1;
	s0 =	sadd.s32 s4, s0  }
0xe7: {  	[tilespmem:s25], [sflag:$0x1] =	stream.linear.gather [hbm4b:s0+s1], $0x80, $0x38;
	[tilespmem:$0x8500] =	vst v63  }
0xe8: {  	s26 =	simm.s32 $0x8;
	v0 =	vld [tilespmem:s31+$0x380]  }
.LBB2_27:
0xe9: {  	p0 =	sne.s32 s26, $0x1FC;
	_ =	sdelay $0x3  }
0xea: {  	(v2sf) =	vpush v0, $0x0;
	_ =	sdelay $0xe  }
0xeb: {  	s0 =	spop (v2sf)  }
.Ltmp13:
0xec: {  	s0 =	sshll.u32 s0, $0x4;
	(pc) =	sbr.rel @p0 .LBB2_27-.Ltmp13, $4  }
0xed: {  	s0 =	sand.u32 $0x1FFFFFF0, s0  }
0xee: {  	s28 =	sshra.s32 s26, $0x2;
	s25 =	sadd.s32 $0x80, s25;
	s0 =	sadd.s32 s4, s0  }
0xef: {  	[tilespmem:s25], [sflag:$0x1] =	stream.linear.gather [hbm4b:s0+s1], $0x80, $0x38;
	[tilespmem:$0x8500] =	vst v63  }
0xf0: {  	s26 =	sadd.s32 $0x4, s26;
	v0 =	vld [tilespmem:s28+$0x380]  }
0xf1: {  	_ =	sdelay $0x3  }
0xf2: {  	(v2sf) =	vpush v0, $0x0;
	_ =	sdelay $0xe  }
0xf3: {  	s0 =	spop (v2sf)  }
0xf4: {  	s0 =	sshll.u32 s0, $0x4  }
0xf5: {  	s0 =	sand.u32 $0x1FFFFFF0, s0  }
0xf6: {  	s25 =	sadd.s32 $0x80, s25;
	s0 =	sadd.s32 s4, s0  }
0xf7: {  	[tilespmem:s25], [sflag:$0x1] =	stream.linear.gather [hbm4b:s0+s1], $0x80, $0x38;
	[tilespmem:$0x8500] =	vst v63  }
0xf8: {  	_ =	swait.ge [sflag:s20], $0x80  }
0xf9: {  	s25 =	simm.s32 $0x7F;
	[sflag:s20] =	ssyncset.done $0x0  }
.LBB2_29:
0xfa: {  	p0 =	sne.s32 s25, $0x1;
	s25 =	sadd.s32 $0xFFFFFFFF, s25;
	[sflag:s20] =	ssyncadd.s32 $0xFFFFFF80  }
.Ltmp14:
0xfb: {  	(pc) =	sbr.rel @p0 .LBB2_29-.Ltmp14, $3  }
0xfc: {  	_ =	sdelay $0x1  }
0xfd: {  	_ =	swait.ge [sflag:s20], $0x80  }
0xfe: {  	[sflag:s20] =	ssyncset.done $0x0  }
0xff: {  	[sflag:s20] =	ssyncadd.s32 $0xFFFFFF80;
	s0 =	simm.s32 $0x0;
	s25 =	simm.s32 $0x4500  }
0x100: {  	[hbm4b:s12+s0] =	stream.linear.scatter [tilespmem:s25], [sflag:$0x4], $0x4000, $0x38;
	[tilespmem:$0x8500] =	vst v63  }
0x101: {  	_ =	swait.ge [sflag:s21], $0x4000  }
0x102: {  	[sflag:s21] =	ssyncset.done $0x0  }
0x103: {  	s29 =	simm.s32 $0x0;
	[sflag:s21] =	ssyncadd.s32 $0xFFFFC000  }
0x104: {  	v0 =	vld [tilespmem:s29+$0x400];
	_ =	sdelay $0x4  }
0x105: {  	(v2sf) =	vpush v0, $0x0;
	_ =	sdelay $0xe  }
0x106: {  	s30 =	spop (v2sf)  }
0x107: {  	s0 =	sshll.u32 s30, $0x4  }
0x108: {  	s0 =	sand.u32 $0x1FFFFFF0, s0  }
0x109: {  	s31 =	simm.s32 $0x1;
	s0 =	sadd.s32 s4, s0  }
0x10a: {  	[tilespmem:s25], [sflag:$0x2] =	stream.linear.gather [hbm4b:s0+s1], $0x80, $0x38;
	[tilespmem:$0x8500] =	vst v63  }
0x10b: {  	s26 =	simm.s32 $0x8;
	v0 =	vld [tilespmem:s31+$0x400]  }
.LBB2_31:
0x10c: {  	p0 =	sne.s32 s26, $0x1FC;
	_ =	sdelay $0x3  }
0x10d: {  	(v2sf) =	vpush v0, $0x0;
	_ =	sdelay $0xe  }
0x10e: {  	s0 =	spop (v2sf)  }
.Ltmp15:
0x10f: {  	s0 =	sshll.u32 s0, $0x4;
	(pc) =	sbr.rel @p0 .LBB2_31-.Ltmp15, $4  }
0x110: {  	s0 =	sand.u32 $0x1FFFFFF0, s0  }
0x111: {  	s28 =	sshra.s32 s26, $0x2;
	s25 =	sadd.s32 $0x80, s25;
	s0 =	sadd.s32 s4, s0  }
0x112: {  	[tilespmem:s25], [sflag:$0x2] =	stream.linear.gather [hbm4b:s0+s1], $0x80, $0x38;
	[tilespmem:$0x8500] =	vst v63  }
0x113: {  	s26 =	sadd.s32 $0x4, s26;
	v0 =	vld [tilespmem:s28+$0x400]  }
0x114: {  	_ =	sdelay $0x3  }
0x115: {  	(v2sf) =	vpush v0, $0x0;
	_ =	sdelay $0xe  }
0x116: {  	s0 =	spop (v2sf)  }
0x117: {  	s0 =	sshll.u32 s0, $0x4  }
0x118: {  	s0 =	sand.u32 $0x1FFFFFF0, s0  }
0x119: {  	s25 =	sadd.s32 $0x80, s25;
	s0 =	sadd.s32 s4, s0  }
0x11a: {  	[tilespmem:s25], [sflag:$0x2] =	stream.linear.gather [hbm4b:s0+s1], $0x80, $0x38;
	[tilespmem:$0x8500] =	vst v63  }
0x11b: {  	_ =	swait.ge [sflag:s18], $0x80  }
0x11c: {  	s25 =	simm.s32 $0x7F;
	[sflag:s18] =	ssyncset.done $0x0  }
.LBB2_33:
0x11d: {  	p0 =	sne.s32 s25, $0x1;
	s25 =	sadd.s32 $0xFFFFFFFF, s25;
	[sflag:s18] =	ssyncadd.s32 $0xFFFFFF80  }
.Ltmp16:
0x11e: {  	(pc) =	sbr.rel @p0 .LBB2_33-.Ltmp16, $3  }
0x11f: {  	_ =	sdelay $0x1  }
0x120: {  	_ =	swait.ge [sflag:s18], $0x80  }
0x121: {  	[sflag:s18] =	ssyncset.done $0x0  }
0x122: {  	[sflag:s18] =	ssyncadd.s32 $0xFFFFFF80  }
0x123: {  	[hbm4b:s13+s1] =	stream.linear.scatter [tilespmem:s22], [sflag:$0x3], $0x4000, $0x38;
	[tilespmem:$0x8500] =	vst v63  }
0x124: {  	_ =	swait.ge [sflag:s20], $0x80  }
0x125: {  	s25 =	simm.s32 $0x7F;
	[sflag:s20] =	ssyncset.done $0x0  }
.LBB2_35:
0x126: {  	p0 =	sne.s32 s25, $0x1;
	s25 =	sadd.s32 $0xFFFFFFFF, s25;
	[sflag:s20] =	ssyncadd.s32 $0xFFFFFF80  }
.Ltmp17:
0x127: {  	(pc) =	sbr.rel @p0 .LBB2_35-.Ltmp17, $3  }
0x128: {  	_ =	sdelay $0x1  }
0x129: {  	_ =	swait.ge [sflag:s20], $0x80  }
0x12a: {  	[sflag:s20] =	ssyncset.done $0x0  }
0x12b: {  	[sflag:s20] =	ssyncadd.s32 $0xFFFFFF80;
	s24 =	sadd.s32 $0x1, s24  }
0x12c: {  	[hbm4b:s14+s1] =	stream.linear.scatter [tilespmem:s23], [sflag:$0x4], $0x4000, $0x38;
	[tilespmem:$0x8500] =	vst v63  }
0x12d: {  	p0 =	sne.s32 s24, s15;
	_ =	swait.ge [sflag:s19], $0x4000  }
.Ltmp18:
0x12e: {  	[sflag:s19] =	ssyncset.done $0x0;
	(pc) =	sbr.rel @p0 .LBB2_1-.Ltmp18, $4  }
.Ltmp19:
0x12f: {  	[sflag:s19] =	ssyncadd.s32 $0xFFFFC000;
	(pc) =	sbr.rel @!p0 .LBB2_37-.Ltmp19, $4  }
0x130: {  	_ =	swait.ge [sflag:s21], $0x4000  }
0x131: {  	[sflag:s21] =	ssyncset.done $0x0  }
0x132: {  	[sflag:s21] =	ssyncadd.s32 $0xFFFFC000  }
0x133: {  	_ = 	snop  }
.LBB2_4:
.Ltmp20:
0x134: {  	(pc) =	sbr.rel .LBB2_8-.Ltmp20, $2  }
0x135: {  	_ =	sdelay $0x2  }
0x136: {  	s26 =	simm.s32 $0x4500  }
.LBB2_6:
.Ltmp21:
0x137: {  	(pc) =	sbr.rel .LBB2_8-.Ltmp21, $2  }
0x138: {  	_ =	sdelay $0x2  }
0x139: {  	s26 =	simm.s32 $0x4500  }
.LBB2_37:
0x13a: {  	_ =	sfence.sel $0x180000  }
0x13b: {  	[bflag:$0x0] =	sbarrier.arrive $0xFFFF  }
0x13c: {  	_ =	strace $0x9000004A  }
0x13d: {  	[bflag:$0x2] =	sbarrier.arrive $0xFFFF  }
0x13e: {  	p0 =	sne.s32 s2, $0x0;
	s0 =	rddreg [dreg:$0x3]  }
0x13f: {  	s0 =	sadd.s32 @!p0 $0x100000, s0  }
0x140: {  	[sflag:s0] =	ssyncadd.tile.s32 @!p0 $0x1;
	_ =	shalt  }
.Lfunc_end2:
_tile_overlayer_lowered:
.L_overlay_start_2:
0x141: {  	(tag) =	ssettag $0x2  }
0x142: {  	s0 =	rddreg [dreg:$0x0];
	s2 =	stileid.u32  }
0x143: {  	s1 =	rddreg [dreg:$0x1];
	p0 =	sne.s32 s2, $0x0  }
0x144: {  	s3 =	rddreg [dreg:$0x2];
	[bflag:$0x3] =	sbarrier.arrive $0xFFFF;
	s2 =	simm.s32 @!p0 $0x1C05  }
0x145: {  	[timem:s3], [sflag:s2] =	dma.local @!p0 [hbm:s0], s1  }
0x146: {  	s0 =	simm.s32 @!p0 $0x5  }
0x147: {  	_ =	swait.ge @!p0 [sflag:s0], s1  }
0x148: {  	s1 =	ssub.s32 @!p0 $0x0, s1;
	[sflag:s0] =	ssyncset.done @!p0 $0x0  }
0x149: {  	[sflag:s0] =	ssyncadd.s32 @!p0 s1  }
0x14a: {  	[bflag:$0x3] =	sbarrier.arrive $0xFFFF  }
0x14b: {  	_ =	shalt  }

// kernel: kernel.8.cloned.1.call-start
scs
__scs_entry_jumppad:
0x0: {  	(pc) =	sbr.rel $0x88, $3  }
0x1: {  	(tag) =	ssettag $0x0;
	lr =	simm.s32 $0x1  }
0x2: {  	[smem:$0x3F93] =	sst lr;
	_ =	strace $0xD0000000  }
0x3: {  	_ = 	snop  }
0x4: {  	_ = 	snop  }
0x5: {  	_ = 	snop  }
0x6: {  	_ = 	snop  }
0x7: {  	_ = 	snop  }
__scs_overlays_trampoline_lowered:
0x8: {  	[smem:$0x3FA2] =	sst s0  }
0x9: {  	[smem:$0x3FA3] =	sst s1  }
0xa: {  	[smem:$0x3FA4] =	sst s2  }
0xb: {  	[smem:$0x3FA5] =	sst s3  }
0xc: {  	[smem:$0x3FA6] =	sst s4  }
0xd: {  	[smem:$0x3FA7] =	sst s5  }
0xe: {  	[smem:$0x3FA8] =	sst s6  }
0xf: {  	[smem:$0x3FA9] =	sst s7  }
0x10: {  	[smem:$0x3FAA] =	sst s8  }
0x11: {  	[smem:$0x3FAB] =	sst s9;
	s0 =	simm.s32 @!p0 $0x0  }
0x12: {  	s1 =	sld [smem:$0x3F91];
	s0 =	simm.s32 @p0 $0x1  }
0x13: {  	[smem:$0x3FAC] =	sst s0;
	s0 =	simm.s32 @!p1 $0x0  }
0x14: {  	s2 =	sld [smem:$0x3F90];
	s0 =	simm.s32 @p1 $0x1  }
0x15: {  	[smem:$0x3FAD] =	sst s0;
	s0 =	simm.s32 @!p2 $0x0  }
0x16: {  	s3 =	sld [smem:$0x3FDB];
	s0 =	simm.s32 @p2 $0x1  }
0x17: {  	s4 =	simm.s32 $0x1BF5;
	[smem:$0x3FAF] =	sst s0  }
0x18: {  	s0 =	sld [smem:$0x3F92];
	_ =	swait.ge [sflag:s4], $0x0  }
0x19: {  	s7 =	sld [smem:$0x3F93]  }
0x1a: {  	s8 =	sadd.s32 $0xFFFFE003, lr  }
0x1b: {  	s9 =	sadd.s32 $0xFFFFFEF7, lr;
	s5 =	simm.s32 $0xFFFFFFFF;
	p2 =	slt.u32 s8, $0xFFFFF086  }
0x1c: {  	p1 =	slt.u32 s9, $0xF7A;
	s5 =	simm.s32 @!p2 $0x0  }
0x1d: {  	s5 =	simm.s32 @p1 $0x1;
	p0 =	seq.s32 s7, s2  }
0x1e: {  	s7 =	smul.u32 @!p0 $0xF7A, s2;
	p2 =	seq.s32 @!p0 s5, $0x0  }
0x1f: {  	s9 =	smul.u32 $0xF7A, s1;
	s8 =	simm.s32 @!p0 $0x1BF5;
	p2 =	por !p2, p0  }
0x20: {  	[sflag:s8] =	ssyncset.s32 @!p0 $0xFFFFF086;
	s6 =	sadd.s32 @!p0 s3, s7;
	s7 =	simm.s32 @!p0 $0x108  }
0x21: {  	s3 =	sadd.s32 s3, s9;
	s6 =	sadd.s32 @!p0 $0x88, s6;
	s7 =	simm.s32 @p2 $0x1082  }
0x22: {  	[simem:s7], [sflag:s8] =	dma.local @!p0 [hbm:s6], $0xF7A  }
0x23: {  	s9 =	sor.u32 $0xD0000000, s2;
	s6 =	simm.s32 $0x108;
	_ =	swait.ge @!p0 [sflag:s8], $0x0  }
0x24: {  	s3 =	sadd.s32 $0x88, s3;
	s6 =	simm.s32 @!p1 $0x1082;
	[sflag:s4] =	ssyncset.s32 $0xFFFFF086  }
0x25: {  	[simem:s6], [sflag:s4] =	dma.local [hbm:s3], $0xF7A  }
0x26: {  	[smem:$0x3F93] =	sst s1;
	(tag) =	ssettag s2;
	_ =	strace s9  }
0x27: {  	s1 =	sld [smem:$0x3FA3]  }
0x28: {  	s2 =	sld [smem:$0x3FA4]  }
0x29: {  	s4 =	sld [smem:$0x3FA6]  }
0x2a: {  	p0 =	seq.s32 s5, $0x0;
	s5 =	sld [smem:$0x3FA7]  }
0x2b: {  	s6 =	sld [smem:$0x3FA8]  }
0x2c: {  	s7 =	sld [smem:$0x3FA9]  }
0x2d: {  	s3 =	simm.s32 $0x108;
	s8 =	sld [smem:$0x3FAA]  }
0x2e: {  	s3 =	simm.s32 @!p0 $0x1082;
	s9 =	sld [smem:$0x3FAB]  }
0x2f: {  	lr =	sadd.s32 s0, s3;
	s0 =	sld [smem:$0x3FA2]  }
0x30: {  	s3 =	sld [smem:$0x3FA5]  }
0x31: {  	[smem:$0x3FAE] =	sst s10  }
0x32: {  	s10 =	sld [smem:$0x3FAC];
	_ =	sdelay $0x3  }
0x33: {  	p0 =	seq.s32 s10, $0x1;
	s10 =	sld [smem:$0x3FAE];
	_ =	sdelay $0x3  }
0x34: {  	[smem:$0x3FAE] =	sst s10  }
0x35: {  	s10 =	sld [smem:$0x3FAD];
	_ =	sdelay $0x3  }
0x36: {  	p1 =	seq.s32 s10, $0x1;
	s10 =	sld [smem:$0x3FAE];
	_ =	sdelay $0x3  }
0x37: {  	[smem:$0x3FAE] =	sst s10  }
0x38: {  	s10 =	sld [smem:$0x3FAF]  }
0x39: {  	_ = 	snop;
	(pc) =	sbr.ind lr, $3  }
0x3a: {  	_ = 	snop  }
0x3b: {  	_ = 	snop  }
0x3c: {  	p2 =	seq.s32 s10, $0x1;
	s10 =	sld [smem:$0x3FAE]  }
0x3d: {  	_ =	shalt  }
0x3e: {  	_ =	shalt  }
0x3f: {  	_ =	shalt  }
0x40: {  	_ =	shalt  }
0x41: {  	_ =	shalt  }
0x42: {  	_ =	shalt  }
0x43: {  	_ =	shalt  }
0x44: {  	_ =	shalt  }
0x45: {  	_ =	shalt  }
0x46: {  	_ =	shalt  }
0x47: {  	_ =	shalt  }
0x48: {  	_ =	shalt  }
0x49: {  	_ =	shalt  }
0x4a: {  	_ =	shalt  }
0x4b: {  	_ =	shalt  }
0x4c: {  	_ =	shalt  }
0x4d: {  	_ =	shalt  }
0x4e: {  	_ =	shalt  }
0x4f: {  	_ =	shalt  }
0x50: {  	_ =	shalt  }
0x51: {  	_ =	shalt  }
0x52: {  	_ =	shalt  }
0x53: {  	_ =	shalt  }
0x54: {  	_ =	shalt  }
0x55: {  	_ =	shalt  }
0x56: {  	_ =	shalt  }
0x57: {  	_ =	shalt  }
0x58: {  	_ =	shalt  }
0x59: {  	_ =	shalt  }
0x5a: {  	_ =	shalt  }
0x5b: {  	_ =	shalt  }
0x5c: {  	_ =	shalt  }
0x5d: {  	_ =	shalt  }
0x5e: {  	_ =	shalt  }
0x5f: {  	_ =	shalt  }
0x60: {  	_ =	shalt  }
0x61: {  	_ =	shalt  }
0x62: {  	_ =	shalt  }
0x63: {  	_ =	shalt  }
0x64: {  	_ =	shalt  }
0x65: {  	_ =	shalt  }
0x66: {  	_ =	shalt  }
0x67: {  	_ =	shalt  }
0x68: {  	_ =	shalt  }
0x69: {  	_ =	shalt  }
0x6a: {  	_ =	shalt  }
0x6b: {  	_ =	shalt  }
0x6c: {  	_ =	shalt  }
0x6d: {  	_ =	shalt  }
0x6e: {  	_ =	shalt  }
0x6f: {  	_ =	shalt  }
0x70: {  	_ =	shalt  }
0x71: {  	_ =	shalt  }
0x72: {  	_ =	shalt  }
0x73: {  	_ =	shalt  }
0x74: {  	_ =	shalt  }
0x75: {  	_ =	shalt  }
0x76: {  	_ =	shalt  }
0x77: {  	_ =	shalt  }
0x78: {  	_ =	shalt  }
0x79: {  	_ =	shalt  }
0x7a: {  	_ =	shalt  }
0x7b: {  	_ =	shalt  }
0x7c: {  	_ =	shalt  }
0x7d: {  	_ =	shalt  }
0x7e: {  	_ =	shalt  }
0x7f: {  	_ =	shalt  }
0x80: {  	_ =	shalt  }
0x81: {  	_ =	shalt  }
0x82: {  	_ =	shalt  }
0x83: {  	_ =	shalt  }
0x84: {  	_ =	shalt  }
0x85: {  	_ =	shalt  }
0x86: {  	_ =	shalt  }
0x87: {  	_ =	shalt  }
.Lfunc_end0:
.L_simem_size_0:
called_computation.1_lowered:
.L_overlay_start_0:
0x88: {  	s2 =	sld [smem:$0x3FD9]  }
0x89: {  	s3 =	sld [smem:$0x3FFE];
	_ =	sdelay $0x1  }
0x8a: {  	s1 =	srdreg.scid  }
0x8b: {  	s0 =	sand.u32 $0x1, s1  }
0x8c: {  	s17 =	sshll.u32 s0, $0xA;
	s2 =	sadd.s32 s3, s2  }
0x8d: {  	s2 =	sadd.s32 s2, s17  }
0x8e: {  	[smem:$0x3FBA] =	sst s2  }
0x8f: {  	_ = 	snop  }
0x90: {  	s2 =	sld [smem:$0x3FC9]  }
0x91: {  	s18 =	sld [smem:$0x3FC8];
	(tm) =	ssettm $0x1  }
0x92: {  	s4 =	sld [smem:$0x3FFB];
	_ =	sdelay $0x3  }
0x93: {  	_ =	strace s4  }
0x94: {  	s4 =	sld [smem:$0x3FFC];
	_ =	sdelay $0x3  }
0x95: {  	_ =	strace s4  }
0x96: {  	s4 =	sld [smem:$0x3FFD];
	_ =	sdelay $0x3  }
0x97: {  	_ =	strace s4  }
0x98: {  	_ =	strace $0x8FFFFFFF  }
0x99: {  	s19 =	sld [smem:$0x3FDB];
	_ =	sdelay $0x1  }
0x9a: {  	s5 =	simm.s32 $_scs_section_size  }
0x9b: {  	s6 =	simm.s32 $_size__tile_overlayer_lowered;
	s7 =	simm.s32 $_tile_overlayer_lowered  }
0x9c: {  	s22 =	simm.s32 $0x1BFF;
	s21 =	sshll.u32 s7, $0x1;
	s4 =	sadd.s32 s5, s19  }
0x9d: {  	s8 =	simm.s32 $0x0;
	s20 =	sshll.u32 s6, $0x1;
	s6 =	sadd.s32 s21, s4  }
0x9e: {  	[timem:s8], [sflag:s22] =	dma.local [hbm:s6], s20  }
0x9f: {  	_ =	swait.ge [sflag:s22], s20  }
0xa0: {  	s5 =	ssub.s32 $0x0, s20;
	[sflag:s22] =	ssyncset.done $0x0  }
0xa1: {  	[sflag:s22] =	ssyncadd.s32 s5;
	_ =	sdelay $0x1  }
0xa2: {  	s23 =	simm.s32 $0x1B8B  }
0xa3: {  	_ =	swait.ge [sflag:s23], $0x1  }
0xa4: {  	[sflag:s23] =	ssyncset.done $0x0  }
0xa5: {  	s25 =	simm.s32 $0x1B8E;
	s24 =	sld [smem:$0x3FFE];
	[sflag:s23] =	ssyncadd.s32 $0xFFFFFFFF  }
0xa6: {  	s26 =	simm.s32 $execute0_lowered;
	[smem:$0x3FD2] =	sst s25  }
0xa7: {  	s6 =	sshll.u32 s26, $0x1;
	_ =	strace $0x80000046;
	[dreg:$0x1] =	wrdreg $0xFFFFFFFF  }
0xa8: {  	s28 =	simm.s32 $_size_execute0_lowered;
	s4 =	sadd.s32 s4, s6;
	[dreg:$0x0] =	wrdreg $0x0  }
0xa9: {  	s6 =	sshll.u32 s28, $0x1;
	[dreg:$0x2] =	wrdreg s4  }
0xaa: {  	[dreg:$0x3] =	wrdreg s6  }
0xab: {  	[dreg:$0x4] =	wrdreg $0xC0  }
0xac: {  	_ =	task [dreg:s8], $0x5FFFF  }
0xad: {  	[dreg:$0x1] =	wrdreg $0xFFFFFFFF  }
0xae: {  	[dreg:$0x0] =	wrdreg $0x60  }
0xaf: {  	[dreg:$0x2] =	wrdreg s2  }
0xb0: {  	[dreg:$0x3] =	wrdreg s18  }
0xb1: {  	[dreg:$0x4] =	wrdreg s24  }
0xb2: {  	[dreg:$0x5] =	wrdreg $0xA  }
0xb3: {  	_ =	task.clear_ibuf [dreg:s8], $0x6FFFF;
	_ =	strace $0x90000046  }
0xb4: {  	s29 =	simm.s32 $0xA;
	_ =	strace $0x80000048  }
0xb5: {  	_ =	swait.ge [sflag:s29], $0x1  }
0xb6: {  	[sflag:s29] =	ssyncadd.s32 $0xFFFFFFFF  }
0xb7: {  	_ =	strace $0x90000048  }
0xb8: {  	_ =	sfence  }
0xb9: {  	s30 =	sld [smem:$0x0];
	_ =	sdelay $0x2  }
0xba: {  	s31 =	sshll.u32 s1, $0xD;
	s1 =	sshrl.u32 s1, $0x2  }
0xbb: {  	s3 =	sand.u32 $0x4000, s31;
	s1 =	sadd.s32 s1, s30  }
0xbc: {  	s0 =	sor.u32 s3, s0;
	s1 =	sshll.u32 s1, $0x11  }
0xbd: {  	s0 =	sor.u32 s1, s0  }
0xbe: {  	s0 =	sadd.s32 $0x8F2B, s0  }
0xbf: {  	[sflag:s0] =	ssyncadd.remote.s32 $0x1  }
0xc0: {  	_ =	sfence.sel $0xFFFF  }
0xc1: {  	[dreg:$0x0] =	wrdreg $0xFFFFFFFF;
	(pc) =	sbr.abs _section_cstart, $3  }
0xc2: {  	[dreg:$0x1] =	wrdreg $0xFFFFFFFF  }
0xc3: {  	_ =	task.clear_ibuf [dreg:s8], $0x2FFFF;
	_ =	strace $0x9FFFFFFF  }
0xc4: {  	(tm) =	ssettm $0x7FFFFFFF  }
0xc5: {  	_ =	shalt  }
tec
execute0_lowered:
.L_overlay_start_1:
0x0: {  	(tag) =	ssettag $0x1  }
0x1: {  	s5 =	rddreg [dreg:$0x0]  }
0x2: {  	s6 =	rddreg [dreg:$0x1]  }
0x3: {  	s7 =	rddreg [dreg:$0x2];
	s1 =	simm.s32 $0x0;
	s8 =	srdreg.scid  }
0x4: {  	s2 =	stileid.u32;
	s18 =	simm.s32 $0x1;
	s19 =	simm.s32 $0x3  }
0x5: {  	s20 =	simm.s32 $0x2;
	s21 =	simm.s32 $0x4;
	s22 =	simm.s32 $0x500  }
0x6: {  	s23 =	simm.s32 $0x4500;
	s24 =	simm.s32 $0x0;
	[smem:$0x7FF] =	sst s1  }
0x7: {  	s3 =	sadd.s32 $0x2800, s7;
	s4 =	sadd.s32 $0xF44C00, s7;
	s8 =	sand.u32 $0x1, s8  }
0x8: {  	s10 =	sshll.u32 s2, $0xA;
	s9 =	ssub.s32 $0x2, s8;
	s8 =	sshll.u32 s8, $0x9  }
0x9: {  	s11 =	sadd.s32 $0x1E87000, s7;
	s14 =	sadd.s32 $0x1EC7000, s7;
	s8 =	sor.u32 s8, s10  }
0xa: {  	_ =	strace $0x80000047;
	s12 =	sshrl.u32 s9, $0x1;
	s30 =	sshrl.u32 s8, $0x3  }
0xb: {  	s15 =	ssub.s32 s9, s12;
	s31 =	sshll.u32 s8, $0x4;
	s5 =	sadd.s32 s5, s30  }
0xc: {  	s6 =	sadd.s32 s6, s30;
	s7 =	sadd.s32 s11, s31;
	s13 =	sor.u32 $0x800, s31  }
0xd: {  	s16 =	sor.u32 $0x1000, s31;
	s17 =	sor.u32 $0x1800, s31;
	s15 =	smax.u32 s15, $0x1  }
0xe: {  	s8 =	sadd.s32 s11, s13;
	s9 =	sadd.s32 s11, s16;
	s10 =	sadd.s32 s11, s17  }
0xf: {  	s11 =	sadd.s32 s14, s31;
	s12 =	sadd.s32 s14, s13;
	s13 =	sadd.s32 s14, s16  }
0x10: {  	s14 =	sadd.s32 s14, s17;
	s16 =	simm.s32 $0x5;
	s17 =	simm.s32 $0x280  }
.LBB2_1:
0x11: {  	[tilespmem:s1], [sflag:$0x5] =	stream.linear.gather [hbm4b:s5+s1], $0x200, $0x38;
	[tilespmem:$0x8500] =	vst v63  }
0x12: {  	_ =	swait.ge [sflag:s16], $0x200  }
0x13: {  	[sflag:s16] =	ssyncset.done $0x0  }
0x14: {  	[sflag:s16] =	ssyncadd.s32 $0xFFFFFE00  }
0x15: {  	[tilespmem:s17], [sflag:$0x5] =	stream.linear.gather [hbm4b:s6+s1], $0x200, $0x38;
	[tilespmem:$0x8500] =	vst v63  }
0x16: {  	_ =	swait.ge [sflag:s16], $0x200  }
0x17: {  	[sflag:s16] =	ssyncset.done $0x0  }
0x18: {  	s25 =	simm.s32 $0x0;
	[sflag:s16] =	ssyncadd.s32 $0xFFFFFE00  }
0x19: {  	v0 =	vld [tilespmem:s25+$0x0];
	_ =	sdelay $0x4  }
0x1a: {  	(v2sf) =	vpush v0, $0x0;
	_ =	sdelay $0xe  }
0x1b: {  	s30 =	spop (v2sf)  }
0x1c: {  	s25 =	sshll.u32 s30, $0x4  }
0x1d: {  	s25 =	sand.u32 $0x1FFFFFF0, s25  }
0x1e: {  	s31 =	simm.s32 $0x1;
	s25 =	sadd.s32 s3, s25  }
0x1f: {  	[tilespmem:s22], [sflag:$0x1] =	stream.linear.gather [hbm4b:s25+s1], $0x80, $0x38;
	[tilespmem:$0x8500] =	vst v63  }
0x20: {  	s26 =	simm.s32 $0x8;
	s25 =	simm.s32 $0x500;
	v0 =	vld [tilespmem:s31+$0x0]  }
.LBB2_2:
0x21: {  	p0 =	sne.s32 s26, $0x1FC;
	_ =	sdelay $0x3  }
0x22: {  	(v2sf) =	vpush v0, $0x0;
	_ =	sdelay $0xe  }
0x23: {  	s28 =	spop (v2sf)  }
.Ltmp0:
0x24: {  	s28 =	sshll.u32 s28, $0x4;
	(pc) =	sbr.rel @p0 .LBB2_2-.Ltmp0, $4  }
0x25: {  	s25 =	sadd.s32 $0x80, s25;
	s28 =	sand.u32 $0x1FFFFFF0, s28  }
0x26: {  	s29 =	sshra.s32 s26, $0x2;
	s30 =	sadd.s32 s3, s28;
	s28 =	simm.s32 $0x0  }
0x27: {  	[tilespmem:s25], [sflag:$0x1] =	stream.linear.gather [hbm4b:s30+s28], $0x80, $0x38;
	[tilespmem:$0x8500] =	vst v63  }
0x28: {  	s26 =	sadd.s32 $0x4, s26;
	v0 =	vld [tilespmem:s29+$0x0]  }
0x29: {  	_ =	sdelay $0x3  }
0x2a: {  	(v2sf) =	vpush v0, $0x0;
	_ =	sdelay $0xe  }
0x2b: {  	p1 =	por $0x1, $0x1;
	s26 =	spop (v2sf)  }
.Ltmp1:
0x2c: {  	s26 =	sshll.u32 s26, $0x4;
	(pc) =	sbr.rel @!p1 .LBB2_4-.Ltmp1, $4  }
0x2d: {  	s26 =	sand.u32 $0x1FFFFFF0, s26  }
0x2e: {  	s25 =	sadd.s32 $0x80, s25;
	s31 =	simm.s32 $0x0;
	s26 =	sadd.s32 s3, s26  }
0x2f: {  	[tilespmem:s25], [sflag:$0x1] =	stream.linear.gather [hbm4b:s26+s28], $0x80, $0x38;
	[tilespmem:$0x8500] =	vst v63  }
0x30: {  	p0 =	por $0x0, $0x0;
	s25 =	simm.s32 $0x4500;
	v0 =	vld [tilespmem:s31+$0x80]  }
0x31: {  	_ =	sdelay $0x3  }
0x32: {  	(v2sf) =	vpush v0, $0x0;
	_ =	sdelay $0xe  }
0x33: {  	p1 =	por $0x1, $0x1;
	s26 =	spop (v2sf)  }
.Ltmp2:
0x34: {  	s26 =	sshll.u32 s26, $0x4;
	(pc) =	sbr.rel @!p1 .LBB2_6-.Ltmp2, $4  }
0x35: {  	s26 =	sand.u32 $0x1FFFFFF0, s26  }
0x36: {  	s31 =	simm.s32 $0x1;
	s26 =	sadd.s32 s3, s26  }
0x37: {  	[tilespmem:s25], [sflag:$0x2] =	stream.linear.gather [hbm4b:s26+s1], $0x80, $0x38;
	[tilespmem:$0x8500] =	vst v63  }
0x38: {  	s28 =	simm.s32 $0x8;
	p0 =	por $0x1, $0x1;
	s26 =	simm.s32 $0x4500;
	v0 =	vld [tilespmem:s31+$0x80]  }
.LBB2_7:
0x39: {  	p1 =	sne.s32 s28, $0x1FC;
	_ =	sdelay $0x3  }
0x3a: {  	(v2sf) =	vpush v0, $0x0;
	_ =	sdelay $0xe  }
0x3b: {  	s29 =	spop (v2sf)  }
.Ltmp3:
0x3c: {  	s29 =	sshll.u32 s29, $0x4;
	(pc) =	sbr.rel @p1 .LBB2_7-.Ltmp3, $4  }
0x3d: {  	s29 =	sand.u32 $0x1FFFFFF0, s29  }
0x3e: {  	s30 =	sshra.s32 s28, $0x2;
	s26 =	sadd.s32 $0x80, s26;
	s29 =	sadd.s32 s3, s29  }
0x3f: {  	[tilespmem:s26], [sflag:$0x2] =	stream.linear.gather [hbm4b:s29+s1], $0x80, $0x38;
	[tilespmem:$0x8500] =	vst v63  }
0x40: {  	s28 =	sadd.s32 $0x4, s28;
	v0 =	vld [tilespmem:s30+$0x80]  }
.LBB2_8:
0x41: {  	_ =	sdelay $0x3  }
0x42: {  	(v2sf) =	vpush v0, $0x0;
	_ =	sdelay $0xe  }
0x43: {  	s28 =	spop (v2sf)  }
0x44: {  	s28 =	sshll.u32 s28, $0x4  }
0x45: {  	s26 =	sadd.s32 @p0 $0x80, s26;
	s28 =	sand.u32 $0x1FFFFFF0, s28  }
0x46: {  	s25 =	smov.u32 @p0 s26;
	s28 =	sadd.s32 s3, s28  }
0x47: {  	[tilespmem:s25], [sflag:$0x2] =	stream.linear.gather [hbm4b:s28+s1], $0x80, $0x38;
	[tilespmem:$0x8500] =	vst v63  }
0x48: {  	_ =	swait.ge [sflag:s18], $0x80  }
0x49: {  	s25 =	simm.s32 $0x7F;
	[sflag:s18] =	ssyncset.done $0x0  }
.LBB2_9:
0x4a: {  	p0 =	sne.s32 s25, $0x1;
	s25 =	sadd.s32 $0xFFFFFFFF, s25;
	[sflag:s18] =	ssyncadd.s32 $0xFFFFFF80  }
.Ltmp4:
0x4b: {  	(pc) =	sbr.rel @p0 .LBB2_9-.Ltmp4, $3  }
0x4c: {  	_ =	sdelay $0x1  }
0x4d: {  	_ =	swait.ge [sflag:s18], $0x80  }
0x4e: {  	[sflag:s18] =	ssyncset.done $0x0  }
0x4f: {  	[sflag:s18] =	ssyncadd.s32 $0xFFFFFF80;
	s26 =	simm.s32 $0x0;
	s25 =	simm.s32 $0x500  }
0x50: {  	[hbm4b:s7+s26] =	stream.linear.scatter [tilespmem:s25], [sflag:$0x3], $0x4000, $0x38;
	[tilespmem:$0x8500] =	vst v63  }
0x51: {  	_ =	swait.ge [sflag:s19], $0x4000  }
0x52: {  	[sflag:s19] =	ssyncset.done $0x0  }
0x53: {  	s29 =	simm.s32 $0x0;
	[sflag:s19] =	ssyncadd.s32 $0xFFFFC000  }
0x54: {  	v0 =	vld [tilespmem:s29+$0x100];
	_ =	sdelay $0x4  }
0x55: {  	(v2sf) =	vpush v0, $0x0;
	_ =	sdelay $0xe  }
0x56: {  	s30 =	spop (v2sf)  }
0x57: {  	s26 =	sshll.u32 s30, $0x4  }
0x58: {  	s26 =	sand.u32 $0x1FFFFFF0, s26  }
0x59: {  	s31 =	simm.s32 $0x1;
	s26 =	sadd.s32 s3, s26  }
0x5a: {  	[tilespmem:s25], [sflag:$0x1] =	stream.linear.gather [hbm4b:s26+s1], $0x80, $0x38;
	[tilespmem:$0x8500] =	vst v63  }
0x5b: {  	s26 =	simm.s32 $0x8;
	v0 =	vld [tilespmem:s31+$0x100]  }
.LBB2_11:
0x5c: {  	p0 =	sne.s32 s26, $0x1FC;
	_ =	sdelay $0x3  }
0x5d: {  	(v2sf) =	vpush v0, $0x0;
	_ =	sdelay $0xe  }
0x5e: {  	s28 =	spop (v2sf)  }
.Ltmp5:
0x5f: {  	s28 =	sshll.u32 s28, $0x4;
	(pc) =	sbr.rel @p0 .LBB2_11-.Ltmp5, $4  }
0x60: {  	s28 =	sand.u32 $0x1FFFFFF0, s28  }
0x61: {  	s29 =	sshra.s32 s26, $0x2;
	s25 =	sadd.s32 $0x80, s25;
	s28 =	sadd.s32 s3, s28  }
0x62: {  	[tilespmem:s25], [sflag:$0x1] =	stream.linear.gather [hbm4b:s28+s1], $0x80, $0x38;
	[tilespmem:$0x8500] =	vst v63  }
0x63: {  	s26 =	sadd.s32 $0x4, s26;
	v0 =	vld [tilespmem:s29+$0x100]  }
0x64: {  	_ =	sdelay $0x3  }
0x65: {  	(v2sf) =	vpush v0, $0x0;
	_ =	sdelay $0xe  }
0x66: {  	s26 =	spop (v2sf)  }
0x67: {  	s26 =	sshll.u32 s26, $0x4  }
0x68: {  	s26 =	sand.u32 $0x1FFFFFF0, s26  }
0x69: {  	s25 =	sadd.s32 $0x80, s25;
	s26 =	sadd.s32 s3, s26  }
0x6a: {  	[tilespmem:s25], [sflag:$0x1] =	stream.linear.gather [hbm4b:s26+s1], $0x80, $0x38;
	[tilespmem:$0x8500] =	vst v63  }
0x6b: {  	_ =	swait.ge [sflag:s20], $0x80  }
0x6c: {  	s25 =	simm.s32 $0x7F;
	[sflag:s20] =	ssyncset.done $0x0  }
.LBB2_13:
0x6d: {  	p0 =	sne.s32 s25, $0x1;
	s25 =	sadd.s32 $0xFFFFFFFF, s25;
	[sflag:s20] =	ssyncadd.s32 $0xFFFFFF80  }
.Ltmp6:
0x6e: {  	(pc) =	sbr.rel @p0 .LBB2_13-.Ltmp6, $3  }
0x6f: {  	_ =	sdelay $0x1  }
0x70: {  	_ =	swait.ge [sflag:s20], $0x80  }
0x71: {  	[sflag:s20] =	ssyncset.done $0x0  }
0x72: {  	[sflag:s20] =	ssyncadd.s32 $0xFFFFFF80;
	s26 =	simm.s32 $0x0;
	s25 =	simm.s32 $0x4500  }
0x73: {  	[hbm4b:s8+s26] =	stream.linear.scatter [tilespmem:s25], [sflag:$0x4], $0x4000, $0x38;
	[tilespmem:$0x8500] =	vst v63  }
0x74: {  	_ =	swait.ge [sflag:s21], $0x4000  }
0x75: {  	[sflag:s21] =	ssyncset.done $0x0  }
0x76: {  	s29 =	simm.s32 $0x0;
	[sflag:s21] =	ssyncadd.s32 $0xFFFFC000  }
0x77: {  	v0 =	vld [tilespmem:s29+$0x180];
	_ =	sdelay $0x4  }
0x78: {  	(v2sf) =	vpush v0, $0x0;
	_ =	sdelay $0xe  }
0x79: {  	s30 =	spop (v2sf)  }
0x7a: {  	s26 =	sshll.u32 s30, $0x4  }
0x7b: {  	s26 =	sand.u32 $0x1FFFFFF0, s26  }
0x7c: {  	s31 =	simm.s32 $0x1;
	s26 =	sadd.s32 s3, s26  }
0x7d: {  	[tilespmem:s25], [sflag:$0x2] =	stream.linear.gather [hbm4b:s26+s1], $0x80, $0x38;
	[tilespmem:$0x8500] =	vst v63  }
0x7e: {  	s26 =	simm.s32 $0x8;
	v0 =	vld [tilespmem:s31+$0x180]  }
.LBB2_15:
0x7f: {  	p0 =	sne.s32 s26, $0x1FC;
	_ =	sdelay $0x3  }
0x80: {  	(v2sf) =	vpush v0, $0x0;
	_ =	sdelay $0xe  }
0x81: {  	s28 =	spop (v2sf)  }
.Ltmp7:
0x82: {  	s28 =	sshll.u32 s28, $0x4;
	(pc) =	sbr.rel @p0 .LBB2_15-.Ltmp7, $4  }
0x83: {  	s28 =	sand.u32 $0x1FFFFFF0, s28  }
0x84: {  	s29 =	sshra.s32 s26, $0x2;
	s25 =	sadd.s32 $0x80, s25;
	s28 =	sadd.s32 s3, s28  }
0x85: {  	[tilespmem:s25], [sflag:$0x2] =	stream.linear.gather [hbm4b:s28+s1], $0x80, $0x38;
	[tilespmem:$0x8500] =	vst v63  }
0x86: {  	s26 =	sadd.s32 $0x4, s26;
	v0 =	vld [tilespmem:s29+$0x180]  }
0x87: {  	_ =	sdelay $0x3  }
0x88: {  	(v2sf) =	vpush v0, $0x0;
	_ =	sdelay $0xe  }
0x89: {  	s26 =	spop (v2sf)  }
0x8a: {  	s26 =	sshll.u32 s26, $0x4  }
0x8b: {  	s26 =	sand.u32 $0x1FFFFFF0, s26  }
0x8c: {  	s25 =	sadd.s32 $0x80, s25;
	s26 =	sadd.s32 s3, s26  }
0x8d: {  	[tilespmem:s25], [sflag:$0x2] =	stream.linear.gather [hbm4b:s26+s1], $0x80, $0x38;
	[tilespmem:$0x8500] =	vst v63  }
0x8e: {  	_ =	swait.ge [sflag:s18], $0x80  }
0x8f: {  	s25 =	simm.s32 $0x7F;
	[sflag:s18] =	ssyncset.done $0x0  }
.LBB2_17:
0x90: {  	p0 =	sne.s32 s25, $0x1;
	s25 =	sadd.s32 $0xFFFFFFFF, s25;
	[sflag:s18] =	ssyncadd.s32 $0xFFFFFF80  }
.Ltmp8:
0x91: {  	(pc) =	sbr.rel @p0 .LBB2_17-.Ltmp8, $3  }
0x92: {  	_ =	sdelay $0x1  }
0x93: {  	_ =	swait.ge [sflag:s18], $0x80  }
0x94: {  	[sflag:s18] =	ssyncset.done $0x0  }
0x95: {  	[sflag:s18] =	ssyncadd.s32 $0xFFFFFF80  }
0x96: {  	[hbm4b:s9+s1] =	stream.linear.scatter [tilespmem:s22], [sflag:$0x3], $0x4000, $0x38;
	[tilespmem:$0x8500] =	vst v63  }
0x97: {  	_ =	swait.ge [sflag:s20], $0x80  }
0x98: {  	s25 =	simm.s32 $0x7F;
	[sflag:s20] =	ssyncset.done $0x0  }
.LBB2_19:
0x99: {  	p0 =	sne.s32 s25, $0x1;
	s25 =	sadd.s32 $0xFFFFFFFF, s25;
	[sflag:s20] =	ssyncadd.s32 $0xFFFFFF80  }
.Ltmp9:
0x9a: {  	(pc) =	sbr.rel @p0 .LBB2_19-.Ltmp9, $3  }
0x9b: {  	_ =	sdelay $0x1  }
0x9c: {  	_ =	swait.ge [sflag:s20], $0x80  }
0x9d: {  	[sflag:s20] =	ssyncset.done $0x0  }
0x9e: {  	[sflag:s20] =	ssyncadd.s32 $0xFFFFFF80;
	s25 =	simm.s32 $0x0  }
0x9f: {  	[hbm4b:s10+s25] =	stream.linear.scatter [tilespmem:s23], [sflag:$0x4], $0x4000, $0x38;
	[tilespmem:$0x8500] =	vst v63  }
0xa0: {  	_ =	swait.ge [sflag:s19], $0x4000  }
0xa1: {  	[sflag:s19] =	ssyncset.done $0x0  }
0xa2: {  	[sflag:s19] =	ssyncadd.s32 $0xFFFFC000  }
0xa3: {  	_ =	swait.ge [sflag:s21], $0x4000  }
0xa4: {  	[sflag:s21] =	ssyncset.done $0x0  }
0xa5: {  	s26 =	simm.s32 $0x0;
	[sflag:s21] =	ssyncadd.s32 $0xFFFFC000  }
0xa6: {  	v0 =	vld [tilespmem:s26+$0x280];
	_ =	sdelay $0x4  }
0xa7: {  	(v2sf) =	vpush v0, $0x0;
	_ =	sdelay $0xe  }
0xa8: {  	s28 =	spop (v2sf)  }
0xa9: {  	s28 =	sshll.u32 s28, $0x4  }
0xaa: {  	s28 =	sand.u32 $0x1FFFFFF0, s28  }
0xab: {  	s29 =	simm.s32 $0x500;
	s28 =	sadd.s32 s4, s28  }
0xac: {  	[tilespmem:s29], [sflag:$0x1] =	stream.linear.gather [hbm4b:s28+s25], $0x80, $0x38;
	[tilespmem:$0x8500] =	vst v63  }
0xad: {  	s28 =	simm.s32 $0x1  }
0xae: {  	s30 =	simm.s32 $0x8;
	v0 =	vld [tilespmem:s28+$0x280]  }
.LBB2_21:
0xaf: {  	p0 =	sne.s32 s30, $0x1FC;
	_ =	sdelay $0x3  }
0xb0: {  	(v2sf) =	vpush v0, $0x0;
	_ =	sdelay $0xe  }
0xb1: {  	s31 =	spop (v2sf)  }
.Ltmp10:
0xb2: {  	s31 =	sshll.u32 s31, $0x4;
	(pc) =	sbr.rel @p0 .LBB2_21-.Ltmp10, $4  }
0xb3: {  	s31 =	sand.u32 $0x1FFFFFF0, s31  }
0xb4: {  	s0 =	sshra.s32 s30, $0x2;
	s29 =	sadd.s32 $0x80, s29;
	s31 =	sadd.s32 s4, s31  }
0xb5: {  	[tilespmem:s29], [sflag:$0x1] =	stream.linear.gather [hbm4b:s31+s25], $0x80, $0x38;
	[tilespmem:$0x8500] =	vst v63  }
0xb6: {  	s30 =	sadd.s32 $0x4, s30;
	v0 =	vld [tilespmem:s0+$0x280]  }
0xb7: {  	_ =	sdelay $0x3  }
0xb8: {  	(v2sf) =	vpush v0, $0x0;
	_ =	sdelay $0xe  }
0xb9: {  	s0 =	spop (v2sf)  }
0xba: {  	s0 =	sshll.u32 s0, $0x4  }
0xbb: {  	s0 =	sand.u32 $0x1FFFFFF0, s0  }
0xbc: {  	s29 =	sadd.s32 $0x80, s29;
	s0 =	sadd.s32 s4, s0  }
0xbd: {  	[tilespmem:s29], [sflag:$0x1] =	stream.linear.gather [hbm4b:s0+s25], $0x80, $0x38;
	[tilespmem:$0x8500] =	vst v63  }
0xbe: {  	v0 =	vld [tilespmem:s26+$0x300];
	_ =	sdelay $0x4  }
0xbf: {  	(v2sf) =	vpush v0, $0x0;
	_ =	sdelay $0xe  }
0xc0: {  	s31 =	spop (v2sf)  }
0xc1: {  	s0 =	sshll.u32 s31, $0x4  }
0xc2: {  	s0 =	sand.u32 $0x1FFFFFF0, s0  }
0xc3: {  	s25 =	simm.s32 $0x4500;
	s0 =	sadd.s32 s4, s0  }
0xc4: {  	[tilespmem:s25], [sflag:$0x2] =	stream.linear.gather [hbm4b:s0+s1], $0x80, $0x38;
	[tilespmem:$0x8500] =	vst v63  }
0xc5: {  	s26 =	simm.s32 $0x8;
	v0 =	vld [tilespmem:s28+$0x300]  }
.LBB2_23:
0xc6: {  	p0 =	sne.s32 s26, $0x1FC;
	_ =	sdelay $0x3  }
0xc7: {  	(v2sf) =	vpush v0, $0x0;
	_ =	sdelay $0xe  }
0xc8: {  	s0 =	spop (v2sf)  }
.Ltmp11:
0xc9: {  	s0 =	sshll.u32 s0, $0x4;
	(pc) =	sbr.rel @p0 .LBB2_23-.Ltmp11, $4  }
0xca: {  	s0 =	sand.u32 $0x1FFFFFF0, s0  }
0xcb: {  	s28 =	sshra.s32 s26, $0x2;
	s25 =	sadd.s32 $0x80, s25;
	s0 =	sadd.s32 s4, s0  }
0xcc: {  	[tilespmem:s25], [sflag:$0x2] =	stream.linear.gather [hbm4b:s0+s1], $0x80, $0x38;
	[tilespmem:$0x8500] =	vst v63  }
0xcd: {  	s26 =	sadd.s32 $0x4, s26;
	v0 =	vld [tilespmem:s28+$0x300]  }
0xce: {  	_ =	sdelay $0x3  }
0xcf: {  	(v2sf) =	vpush v0, $0x0;
	_ =	sdelay $0xe  }
0xd0: {  	s0 =	spop (v2sf)  }
0xd1: {  	s0 =	sshll.u32 s0, $0x4  }
0xd2: {  	s0 =	sand.u32 $0x1FFFFFF0, s0  }
0xd3: {  	s25 =	sadd.s32 $0x80, s25;
	s0 =	sadd.s32 s4, s0  }
0xd4: {  	[tilespmem:s25], [sflag:$0x2] =	stream.linear.gather [hbm4b:s0+s1], $0x80, $0x38;
	[tilespmem:$0x8500] =	vst v63  }
0xd5: {  	_ =	swait.ge [sflag:s18], $0x80  }
0xd6: {  	s25 =	simm.s32 $0x7F;
	[sflag:s18] =	ssyncset.done $0x0  }
.LBB2_25:
0xd7: {  	p0 =	sne.s32 s25, $0x1;
	s25 =	sadd.s32 $0xFFFFFFFF, s25;
	[sflag:s18] =	ssyncadd.s32 $0xFFFFFF80  }
.Ltmp12:
0xd8: {  	(pc) =	sbr.rel @p0 .LBB2_25-.Ltmp12, $3  }
0xd9: {  	_ =	sdelay $0x1  }
0xda: {  	_ =	swait.ge [sflag:s18], $0x80  }
0xdb: {  	[sflag:s18] =	ssyncset.done $0x0  }
0xdc: {  	[sflag:s18] =	ssyncadd.s32 $0xFFFFFF80;
	s0 =	simm.s32 $0x0;
	s25 =	simm.s32 $0x500  }
0xdd: {  	[hbm4b:s11+s0] =	stream.linear.scatter [tilespmem:s25], [sflag:$0x3], $0x4000, $0x38;
	[tilespmem:$0x8500] =	vst v63  }
0xde: {  	_ =	swait.ge [sflag:s19], $0x4000  }
0xdf: {  	[sflag:s19] =	ssyncset.done $0x0  }
0xe0: {  	s29 =	simm.s32 $0x0;
	[sflag:s19] =	ssyncadd.s32 $0xFFFFC000  }
0xe1: {  	v0 =	vld [tilespmem:s29+$0x380];
	_ =	sdelay $0x4  }
0xe2: {  	(v2sf) =	vpush v0, $0x0;
	_ =	sdelay $0xe  }
0xe3: {  	s30 =	spop (v2sf)  }
0xe4: {  	s0 =	sshll.u32 s30, $0x4  }
0xe5: {  	s0 =	sand.u32 $0x1FFFFFF0, s0  }
0xe6: {  	s31 =	simm.s32 $0x1;
	s0 =	sadd.s32 s4, s0  }
0xe7: {  	[tilespmem:s25], [sflag:$0x1] =	stream.linear.gather [hbm4b:s0+s1], $0x80, $0x38;
	[tilespmem:$0x8500] =	vst v63  }
0xe8: {  	s26 =	simm.s32 $0x8;
	v0 =	vld [tilespmem:s31+$0x380]  }
.LBB2_27:
0xe9: {  	p0 =	sne.s32 s26, $0x1FC;
	_ =	sdelay $0x3  }
0xea: {  	(v2sf) =	vpush v0, $0x0;
	_ =	sdelay $0xe  }
0xeb: {  	s0 =	spop (v2sf)  }
.Ltmp13:
0xec: {  	s0 =	sshll.u32 s0, $0x4;
	(pc) =	sbr.rel @p0 .LBB2_27-.Ltmp13, $4  }
0xed: {  	s0 =	sand.u32 $0x1FFFFFF0, s0  }
0xee: {  	s28 =	sshra.s32 s26, $0x2;
	s25 =	sadd.s32 $0x80, s25;
	s0 =	sadd.s32 s4, s0  }
0xef: {  	[tilespmem:s25], [sflag:$0x1] =	stream.linear.gather [hbm4b:s0+s1], $0x80, $0x38;
	[tilespmem:$0x8500] =	vst v63  }
0xf0: {  	s26 =	sadd.s32 $0x4, s26;
	v0 =	vld [tilespmem:s28+$0x380]  }
0xf1: {  	_ =	sdelay $0x3  }
0xf2: {  	(v2sf) =	vpush v0, $0x0;
	_ =	sdelay $0xe  }
0xf3: {  	s0 =	spop (v2sf)  }
0xf4: {  	s0 =	sshll.u32 s0, $0x4  }
0xf5: {  	s0 =	sand.u32 $0x1FFFFFF0, s0  }
0xf6: {  	s25 =	sadd.s32 $0x80, s25;
	s0 =	sadd.s32 s4, s0  }
0xf7: {  	[tilespmem:s25], [sflag:$0x1] =	stream.linear.gather [hbm4b:s0+s1], $0x80, $0x38;
	[tilespmem:$0x8500] =	vst v63  }
0xf8: {  	_ =	swait.ge [sflag:s20], $0x80  }
0xf9: {  	s25 =	simm.s32 $0x7F;
	[sflag:s20] =	ssyncset.done $0x0  }
.LBB2_29:
0xfa: {  	p0 =	sne.s32 s25, $0x1;
	s25 =	sadd.s32 $0xFFFFFFFF, s25;
	[sflag:s20] =	ssyncadd.s32 $0xFFFFFF80  }
.Ltmp14:
0xfb: {  	(pc) =	sbr.rel @p0 .LBB2_29-.Ltmp14, $3  }
0xfc: {  	_ =	sdelay $0x1  }
0xfd: {  	_ =	swait.ge [sflag:s20], $0x80  }
0xfe: {  	[sflag:s20] =	ssyncset.done $0x0  }
0xff: {  	[sflag:s20] =	ssyncadd.s32 $0xFFFFFF80;
	s0 =	simm.s32 $0x0;
	s25 =	simm.s32 $0x4500  }
0x100: {  	[hbm4b:s12+s0] =	stream.linear.scatter [tilespmem:s25], [sflag:$0x4], $0x4000, $0x38;
	[tilespmem:$0x8500] =	vst v63  }
0x101: {  	_ =	swait.ge [sflag:s21], $0x4000  }
0x102: {  	[sflag:s21] =	ssyncset.done $0x0  }
0x103: {  	s29 =	simm.s32 $0x0;
	[sflag:s21] =	ssyncadd.s32 $0xFFFFC000  }
0x104: {  	v0 =	vld [tilespmem:s29+$0x400];
	_ =	sdelay $0x4  }
0x105: {  	(v2sf) =	vpush v0, $0x0;
	_ =	sdelay $0xe  }
0x106: {  	s30 =	spop (v2sf)  }
0x107: {  	s0 =	sshll.u32 s30, $0x4  }
0x108: {  	s0 =	sand.u32 $0x1FFFFFF0, s0  }
0x109: {  	s31 =	simm.s32 $0x1;
	s0 =	sadd.s32 s4, s0  }
0x10a: {  	[tilespmem:s25], [sflag:$0x2] =	stream.linear.gather [hbm4b:s0+s1], $0x80, $0x38;
	[tilespmem:$0x8500] =	vst v63  }
0x10b: {  	s26 =	simm.s32 $0x8;
	v0 =	vld [tilespmem:s31+$0x400]  }
.LBB2_31:
0x10c: {  	p0 =	sne.s32 s26, $0x1FC;
	_ =	sdelay $0x3  }
0x10d: {  	(v2sf) =	vpush v0, $0x0;
	_ =	sdelay $0xe  }
0x10e: {  	s0 =	spop (v2sf)  }
.Ltmp15:
0x10f: {  	s0 =	sshll.u32 s0, $0x4;
	(pc) =	sbr.rel @p0 .LBB2_31-.Ltmp15, $4  }
0x110: {  	s0 =	sand.u32 $0x1FFFFFF0, s0  }
0x111: {  	s28 =	sshra.s32 s26, $0x2;
	s25 =	sadd.s32 $0x80, s25;
	s0 =	sadd.s32 s4, s0  }
0x112: {  	[tilespmem:s25], [sflag:$0x2] =	stream.linear.gather [hbm4b:s0+s1], $0x80, $0x38;
	[tilespmem:$0x8500] =	vst v63  }
0x113: {  	s26 =	sadd.s32 $0x4, s26;
	v0 =	vld [tilespmem:s28+$0x400]  }
0x114: {  	_ =	sdelay $0x3  }
0x115: {  	(v2sf) =	vpush v0, $0x0;
	_ =	sdelay $0xe  }
0x116: {  	s0 =	spop (v2sf)  }
0x117: {  	s0 =	sshll.u32 s0, $0x4  }
0x118: {  	s0 =	sand.u32 $0x1FFFFFF0, s0  }
0x119: {  	s25 =	sadd.s32 $0x80, s25;
	s0 =	sadd.s32 s4, s0  }
0x11a: {  	[tilespmem:s25], [sflag:$0x2] =	stream.linear.gather [hbm4b:s0+s1], $0x80, $0x38;
	[tilespmem:$0x8500] =	vst v63  }
0x11b: {  	_ =	swait.ge [sflag:s18], $0x80  }
0x11c: {  	s25 =	simm.s32 $0x7F;
	[sflag:s18] =	ssyncset.done $0x0  }
.LBB2_33:
0x11d: {  	p0 =	sne.s32 s25, $0x1;
	s25 =	sadd.s32 $0xFFFFFFFF, s25;
	[sflag:s18] =	ssyncadd.s32 $0xFFFFFF80  }
.Ltmp16:
0x11e: {  	(pc) =	sbr.rel @p0 .LBB2_33-.Ltmp16, $3  }
0x11f: {  	_ =	sdelay $0x1  }
0x120: {  	_ =	swait.ge [sflag:s18], $0x80  }
0x121: {  	[sflag:s18] =	ssyncset.done $0x0  }
0x122: {  	[sflag:s18] =	ssyncadd.s32 $0xFFFFFF80  }
0x123: {  	[hbm4b:s13+s1] =	stream.linear.scatter [tilespmem:s22], [sflag:$0x3], $0x4000, $0x38;
	[tilespmem:$0x8500] =	vst v63  }
0x124: {  	_ =	swait.ge [sflag:s20], $0x80  }
0x125: {  	s25 =	simm.s32 $0x7F;
	[sflag:s20] =	ssyncset.done $0x0  }
.LBB2_35:
0x126: {  	p0 =	sne.s32 s25, $0x1;
	s25 =	sadd.s32 $0xFFFFFFFF, s25;
	[sflag:s20] =	ssyncadd.s32 $0xFFFFFF80  }
.Ltmp17:
0x127: {  	(pc) =	sbr.rel @p0 .LBB2_35-.Ltmp17, $3  }
0x128: {  	_ =	sdelay $0x1  }
0x129: {  	_ =	swait.ge [sflag:s20], $0x80  }
0x12a: {  	[sflag:s20] =	ssyncset.done $0x0  }
0x12b: {  	[sflag:s20] =	ssyncadd.s32 $0xFFFFFF80;
	s24 =	sadd.s32 $0x1, s24  }
0x12c: {  	[hbm4b:s14+s1] =	stream.linear.scatter [tilespmem:s23], [sflag:$0x4], $0x4000, $0x38;
	[tilespmem:$0x8500] =	vst v63  }
0x12d: {  	p0 =	sne.s32 s24, s15;
	_ =	swait.ge [sflag:s19], $0x4000  }
.Ltmp18:
0x12e: {  	[sflag:s19] =	ssyncset.done $0x0;
	(pc) =	sbr.rel @p0 .LBB2_1-.Ltmp18, $4  }
.Ltmp19:
0x12f: {  	[sflag:s19] =	ssyncadd.s32 $0xFFFFC000;
	(pc) =	sbr.rel @!p0 .LBB2_37-.Ltmp19, $4  }
0x130: {  	_ =	swait.ge [sflag:s21], $0x4000  }
0x131: {  	[sflag:s21] =	ssyncset.done $0x0  }
0x132: {  	[sflag:s21] =	ssyncadd.s32 $0xFFFFC000  }
0x133: {  	_ = 	snop  }
.LBB2_4:
.Ltmp20:
0x134: {  	(pc) =	sbr.rel .LBB2_8-.Ltmp20, $2  }
0x135: {  	_ =	sdelay $0x2  }
0x136: {  	s26 =	simm.s32 $0x4500  }
.LBB2_6:
.Ltmp21:
0x137: {  	(pc) =	sbr.rel .LBB2_8-.Ltmp21, $2  }
0x138: {  	_ =	sdelay $0x2  }
0x139: {  	s26 =	simm.s32 $0x4500  }
.LBB2_37:
0x13a: {  	_ =	sfence.sel $0x180000  }
0x13b: {  	[bflag:$0x0] =	sbarrier.arrive $0xFFFF  }
0x13c: {  	_ =	strace $0x90000047  }
0x13d: {  	[bflag:$0x2] =	sbarrier.arrive $0xFFFF  }
0x13e: {  	p0 =	sne.s32 s2, $0x0;
	s0 =	rddreg [dreg:$0x3]  }
0x13f: {  	s0 =	sadd.s32 @!p0 $0x100000, s0  }
0x140: {  	[sflag:s0] =	ssyncadd.tile.s32 @!p0 $0x1;
	_ =	shalt  }
.Lfunc_end2:
_tile_overlayer_lowered:
.L_overlay_start_2:
0x141: {  	(tag) =	ssettag $0x2  }
0x142: {  	s0 =	rddreg [dreg:$0x0];
	s2 =	stileid.u32  }
0x143: {  	s1 =	rddreg [dreg:$0x1];
	p0 =	sne.s32 s2, $0x0  }
0x144: {  	s3 =	rddreg [dreg:$0x2];
	[bflag:$0x3] =	sbarrier.arrive $0xFFFF;
	s2 =	simm.s32 @!p0 $0x1C05  }
0x145: {  	[timem:s3], [sflag:s2] =	dma.local @!p0 [hbm:s0], s1  }
0x146: {  	s0 =	simm.s32 @!p0 $0x5  }
0x147: {  	_ =	swait.ge @!p0 [sflag:s0], s1  }
0x148: {  	s1 =	ssub.s32 @!p0 $0x0, s1;
	[sflag:s0] =	ssyncset.done @!p0 $0x0  }
0x149: {  	[sflag:s0] =	ssyncadd.s32 @!p0 s1  }
0x14a: {  	[bflag:$0x3] =	sbarrier.arrive $0xFFFF  }
0x14b: {  	_ =	shalt  }

</sc_bundles>
